<compile_context>
chip_gen: v7x
topology: tpu7x:2x2x1
jax: 0.10.2.dev20260603
libtpu: 0.0.44.dev20260713+nightly
codegen_flags: <defaults>
</compile_context>

<pallas_src>
import functools

import numpy as np
import jax
import jax.numpy as jnp
from jax import lax
from jax.experimental import pallas as pl
from jax.experimental.pallas import tpu as pltpu
from jax.experimental.pallas import tpu_sc as plsc

_B, _E, _N, _D = 16, 16384, 1024, 128
_ET = 16384
_LOGEPS = float(np.log(np.float32(1e-10)))

_NC, _NS = 2, 16
_NW = _NC * _NS
_CELLS = _B * _N * _N
_BPC = _B // _NC
_SLAB = _N * _N
_STRIPE = _SLAB // _NS
_CB = 16384
_EPP = _E // _NS
_NSTEP = _B * _E // _ET
_ROWS = _ET // 128


def _mlp_body(x_ref, ei_ref, w0_ref, b0_ref, w1_ref, b1_ref, wo_ref, bo_ref,
              val_ref, idx_ref):
    x = x_ref[0].astype(jnp.bfloat16)
    dn = (((1,), (0,)), ((), ()))
    u = lax.dot_general(x, w0_ref[...], dn, preferred_element_type=jnp.float32)
    u = u + b0_ref[0]
    h = (u * (1.0 + jnp.tanh(u))).astype(jnp.bfloat16)
    u = lax.dot_general(h, w1_ref[...], dn, preferred_element_type=jnp.float32)
    u = u + b1_ref[0]
    h = (u * (1.0 + jnp.tanh(u))).astype(jnp.bfloat16)
    dnh = (((1,), (1,)), ((), ()))
    z = lax.dot_general(wo_ref[...], h, dnh,
                        preferred_element_type=jnp.float32) + bo_ref[0, 0]
    e = 0.5 * (1.0 + jnp.tanh(z))
    val_ref[...] = jnp.log(e + 1e-10).reshape(_ROWS, 128)
    src = ei_ref[0, 0:1]
    dst = ei_ref[0, 1:2]
    idx_ref[...] = (src * _N + dst).reshape(_ROWS, 128)


def _run_mlp(edge_attr, edge_index, W0, b0, W1, b1, Wout, bout):
    grid = (_B, _E // _ET)
    spe = _E // _ET
    vals, idx = pl.pallas_call(
        _mlp_body,
        grid=grid,
        in_specs=[
            pl.BlockSpec((1, _ET, _D), lambda b, j: (b, j, 0)),
            pl.BlockSpec((1, 2, _ET), lambda b, j: (b, 0, j)),
            pl.BlockSpec((_D, _D), lambda b, j: (0, 0)),
            pl.BlockSpec((1, _D), lambda b, j: (0, 0)),
            pl.BlockSpec((_D, _D), lambda b, j: (0, 0)),
            pl.BlockSpec((1, _D), lambda b, j: (0, 0)),
            pl.BlockSpec((1, _D), lambda b, j: (0, 0)),
            pl.BlockSpec((1, 1), lambda b, j: (0, 0)),
        ],
        out_specs=[
            pl.BlockSpec((_ROWS, 128), lambda b, j: (b * spe + j, 0)),
            pl.BlockSpec((_ROWS, 128), lambda b, j: (b * spe + j, 0)),
        ],
        out_shape=[
            jax.ShapeDtypeStruct((_NSTEP * _ROWS, 128), jnp.float32),
            jax.ShapeDtypeStruct((_NSTEP * _ROWS, 128), jnp.int32),
        ],
    )(edge_attr, edge_index,
      (0.5 * W0.T).astype(jnp.bfloat16), (0.5 * b0).reshape(1, _D),
      (0.5 * W1.T).astype(jnp.bfloat16), (0.5 * b1).reshape(1, _D),
      (0.5 * Wout).astype(jnp.bfloat16).reshape(1, _D),
      (0.5 * bout).reshape(1, 1))
    return vals, idx


_sc_mesh = plsc.VectorSubcoreMesh(core_axis_name="c", subcore_axis_name="s")


@functools.partial(
    pl.kernel,
    out_type=jax.ShapeDtypeStruct((_CELLS,), jnp.float32),
    mesh=_sc_mesh,
    scratch_types=(
        [pltpu.VMEM_SHARED((_SLAB,), jnp.float32)]
        + [pltpu.VMEM((_CB,), jnp.float32)]
        + [pltpu.VMEM((_EPP,), jnp.int32) for _ in range(_BPC)]
        + [pltpu.VMEM((_EPP,), jnp.float32) for _ in range(_BPC)]
        + [pltpu.SemaphoreType.DMA] * 3
    ),
)
def _sc_scatter(idx_hbm, val_hbm, out_hbm, slab, cb, *rest):
    idx_vs = rest[:_BPC]
    val_vs = rest[_BPC:2 * _BPC]
    sem_l, sem_m, sem_o = rest[2 * _BPC:]
    c = lax.axis_index("c")
    s = lax.axis_index("s")

    cvec = jnp.full((16,), _LOGEPS, jnp.float32)

    def fill(i, carry):
        cb[pl.ds(i * 64, 16)] = cvec
        cb[pl.ds(i * 64 + 16, 16)] = cvec
        cb[pl.ds(i * 64 + 32, 16)] = cvec
        cb[pl.ds(i * 64 + 48, 16)] = cvec
        return carry

    lax.fori_loop(0, _CB // 64, fill, 0)

    for p in range(_BPC):
        eb = (c * _BPC + p) * _E + s * _EPP
        pltpu.make_async_copy(
            idx_hbm.at[pl.ds(eb, _EPP)], idx_vs[p], sem_l).start()
        pltpu.make_async_copy(
            val_hbm.at[pl.ds(eb, _EPP)], val_vs[p], sem_l).start()
    for p in range(_BPC):
        eb = (c * _BPC + p) * _E + s * _EPP
        pltpu.make_async_copy(
            idx_hbm.at[pl.ds(eb, _EPP)], idx_vs[p], sem_l).wait()
        pltpu.make_async_copy(
            val_hbm.at[pl.ds(eb, _EPP)], val_vs[p], sem_l).wait()

    stripe = s * _STRIPE
    for p in range(_BPC):
        for i in range(_STRIPE // _CB):
            pltpu.make_async_copy(
                cb, slab.at[pl.ds(stripe + i * _CB, _CB)], sem_m).start()
        for i in range(_STRIPE // _CB):
            pltpu.make_async_copy(
                cb, slab.at[pl.ds(stripe + i * _CB, _CB)], sem_m).wait()
        plsc.subcore_barrier()

        pltpu.make_async_copy(val_vs[p], slab.at[idx_vs[p]], sem_m).start()
        pltpu.make_async_copy(val_vs[p], slab.at[idx_vs[p]], sem_m).wait()
        plsc.subcore_barrier()

        ob = (c * _BPC + p) * _SLAB + stripe
        cp = pltpu.make_async_copy(
            slab.at[pl.ds(stripe, _STRIPE)], out_hbm.at[pl.ds(ob, _STRIPE)],
            sem_o)
        cp.start()
        cp.wait()


def kernel(edge_attr, edge_index, num_nodes, W0, b0, W1, b1, Wout, bout):
    del num_nodes
    ei = edge_index.astype(jnp.int32)
    vals, idx = _run_mlp(edge_attr, ei, W0, b0, W1, b1, Wout, bout)
    idx2 = idx.reshape(_B * _E)
    vals2 = vals.reshape(_B * _E)
    flat = _sc_scatter(idx2, vals2)
    return flat.reshape(_B, _N, _N)

# --- scband reference (transcript-rebuilt; emitter-appended) ---
"""Pipeline reference for scband-edge-heatmap-generator-50448685859365 (READ-ONLY COPY).

The authoritative reference and input builder live on the scoring server;
editing this copy changes nothing except your own understanding.
"""

import jax, jax.numpy as jnp
import numpy as np

B = 16
E = 16384
N = 1024
D = 128


def setup_inputs(seed: int = 0) -> dict:
    key = jax.random.key(seed)
    k = jax.random.split(key, 8)
    edge_attr = jax.random.normal(k[0], (B, E, D), dtype=jnp.float32)
    edge_index = jax.random.randint(k[1], (B, 2, E), 0, N, dtype=jnp.int64)
    W0 = jax.random.normal(k[2], (D, D), dtype=jnp.float32) * 0.05
    b0 = jnp.zeros((D,), dtype=jnp.float32)
    W1 = jax.random.normal(k[3], (D, D), dtype=jnp.float32) * 0.05
    b1 = jnp.zeros((D,), dtype=jnp.float32)
    Wout = jax.random.normal(k[4], (1, D), dtype=jnp.float32) * 0.05
    bout = jnp.zeros((1,), dtype=jnp.float32)
    return {"edge_attr": edge_attr, "edge_index": edge_index, "num_nodes": N,
            "W0": W0, "b0": b0, "W1": W1, "b1": b1, "Wout": Wout, "bout": bout}


def reference(edge_attr, edge_index, num_nodes, W0, b0, W1, b1, Wout, bout):
    # MLP over edge embeddings (num_layers=3 -> 2 hidden silu layers + sigmoid output)
    h = jax.nn.silu(edge_attr @ W0.T + b0)
    h = jax.nn.silu(h @ W1.T + b1)
    e = jax.nn.sigmoid(h @ Wout.T + bout)  # [B, E, 1]
    bsz = edge_index.shape[0]
    n_edges = edge_index.shape[2]
    bidx = jnp.broadcast_to(jnp.arange(bsz)[:, None], (bsz, n_edges))
    src = edge_index[:, 0, :]
    dst = edge_index[:, 1, :]
    num_nodes_zero = (jnp.asarray(num_nodes) - jnp.asarray(num_nodes)).astype(e.dtype)
    heatmap = jnp.zeros((bsz, N, N), dtype=e.dtype) + num_nodes_zero
    # scatter-overwrite: heatmap[b, src, dst] = e
    heatmap = heatmap.at[bidx, src, dst].set(e[..., 0])
    heatmap = heatmap + 1e-10
    heatmap_logits = jnp.log(heatmap)
    return heatmap_logits

if __name__ == "__main__":
    import jax
    _d = setup_inputs()
    print(jax.jit(kernel)(*tuple(_d.values())))

</pallas_src>

<mosaic_0001>
#map = affine_map<(d0, d1) -> (0)>
module attributes {stable_mosaic.version = 14 : i64} {
  func.func @_sc_scatter(%arg0: i32, %arg1: i32, %arg2: memref<262144xi32, #tpu.memory_space<hbm>>, %arg3: memref<262144xf32, #tpu.memory_space<hbm>>, %arg4: memref<16777216xf32, #tpu.memory_space<hbm>>, %arg5: memref<1048576xf32, #tpu.memory_space<vmem_shared>>, %arg6: memref<16384xf32, #tpu.memory_space<vmem>>, %arg7: memref<1024xi32, #tpu.memory_space<vmem>>, %arg8: memref<1024xi32, #tpu.memory_space<vmem>>, %arg9: memref<1024xi32, #tpu.memory_space<vmem>>, %arg10: memref<1024xi32, #tpu.memory_space<vmem>>, %arg11: memref<1024xi32, #tpu.memory_space<vmem>>, %arg12: memref<1024xi32, #tpu.memory_space<vmem>>, %arg13: memref<1024xi32, #tpu.memory_space<vmem>>, %arg14: memref<1024xi32, #tpu.memory_space<vmem>>, %arg15: memref<1024xf32, #tpu.memory_space<vmem>>, %arg16: memref<1024xf32, #tpu.memory_space<vmem>>, %arg17: memref<1024xf32, #tpu.memory_space<vmem>>, %arg18: memref<1024xf32, #tpu.memory_space<vmem>>, %arg19: memref<1024xf32, #tpu.memory_space<vmem>>, %arg20: memref<1024xf32, #tpu.memory_space<vmem>>, %arg21: memref<1024xf32, #tpu.memory_space<vmem>>, %arg22: memref<1024xf32, #tpu.memory_space<vmem>>, %arg23: memref<!tpu.dma_semaphore, #tpu.memory_space<semaphore_mem>>, %arg24: memref<!tpu.dma_semaphore, #tpu.memory_space<semaphore_mem>>, %arg25: memref<!tpu.dma_semaphore, #tpu.memory_space<semaphore_mem>>) attributes {dimension_semantics = [#tpu.dimension_semantics<core_parallel>, #tpu.dimension_semantics<subcore_parallel>], iteration_bounds = array<i64: 2, 16>, scalar_prefetch = 0 : i64, scratch_operands = 21 : i64, tpu.core_type = #tpu.core_type<sc_vector_subcore>, window_params = [{transform_indices = #map}, {transform_indices = #map}, {transform_indices = #map}]} {
    %broadcast_in_dim3A = arith.constant -23.0258503 : f32
    %broadcast_in_dim3A_0 = vector.broadcast %broadcast_in_dim3A : f32 to vector<16xf32>
    %scan3A = arith.constant 0 : i32
    %scan3A_1 = arith.constant 0 : i32
    %scan3A_2 = arith.constant 256 : i32
    %scan3A_3 = arith.addi %scan3A_1, %scan3A_2 : i32
    %scan3A_4 = arith.constant 1 : i32
    scf.for %scan3A_603 = %scan3A_1 to %scan3A_3 step %scan3A_4  : i32 {
      %mul3A_604 = arith.constant 64 : i32
      %mul3A_605 = arith.muli %scan3A_603, %mul3A_604 : i32
      %swap3A = arith.index_cast %mul3A_605 : i32 to index
      %swap3A_606 = tpu.vector_load %arg6[%swap3A] {strides = array<i32>} : memref<16384xf32, #tpu.memory_space<vmem>>, vector<16xf32>,
      %swap3A_607 = vector.shape_cast %swap3A_606 : vector<16xf32> to vector<16xf32>
      %swap3A_608 = vector.shape_cast %broadcast_in_dim3A_0 : vector<16xf32> to vector<16xf32>
      tpu.vector_store %arg6[%swap3A], %swap3A_608 {strides = array<i32>} : memref<16384xf32, #tpu.memory_space<vmem>>, vector<16xf32>,
      %mul3A_609 = arith.constant 64 : i32
      %mul3A_610 = arith.muli %scan3A_603, %mul3A_609 : i32
      %add3A_611 = arith.constant 16 : i32
      %add3A_612 = arith.addi %mul3A_610, %add3A_611 : i32
      %swap3A_613 = arith.index_cast %add3A_612 : i32 to index
      %swap3A_614 = tpu.vector_load %arg6[%swap3A_613] {strides = array<i32>} : memref<16384xf32, #tpu.memory_space<vmem>>, vector<16xf32>,
      %swap3A_615 = vector.shape_cast %swap3A_614 : vector<16xf32> to vector<16xf32>
      %swap3A_616 = vector.shape_cast %broadcast_in_dim3A_0 : vector<16xf32> to vector<16xf32>
      tpu.vector_store %arg6[%swap3A_613], %swap3A_616 {strides = array<i32>} : memref<16384xf32, #tpu.memory_space<vmem>>, vector<16xf32>,
      %mul3A_617 = arith.constant 64 : i32
      %mul3A_618 = arith.muli %scan3A_603, %mul3A_617 : i32
      %add3A_619 = arith.constant 32 : i32
      %add3A_620 = arith.addi %mul3A_618, %add3A_619 : i32
      %swap3A_621 = arith.index_cast %add3A_620 : i32 to index
      %swap3A_622 = tpu.vector_load %arg6[%swap3A_621] {strides = array<i32>} : memref<16384xf32, #tpu.memory_space<vmem>>, vector<16xf32>,
      %swap3A_623 = vector.shape_cast %swap3A_622 : vector<16xf32> to vector<16xf32>
      %swap3A_624 = vector.shape_cast %broadcast_in_dim3A_0 : vector<16xf32> to vector<16xf32>
      tpu.vector_store %arg6[%swap3A_621], %swap3A_624 {strides = array<i32>} : memref<16384xf32, #tpu.memory_space<vmem>>, vector<16xf32>,
      %mul3A_625 = arith.constant 64 : i32
      %mul3A_626 = arith.muli %scan3A_603, %mul3A_625 : i32
      %add3A_627 = arith.constant 48 : i32
      %add3A_628 = arith.addi %mul3A_626, %add3A_627 : i32
      %swap3A_629 = arith.index_cast %add3A_628 : i32 to index
      %swap3A_630 = tpu.vector_load %arg6[%swap3A_629] {strides = array<i32>} : memref<16384xf32, #tpu.memory_space<vmem>>, vector<16xf32>,
      %swap3A_631 = vector.shape_cast %swap3A_630 : vector<16xf32> to vector<16xf32>
      %swap3A_632 = vector.shape_cast %broadcast_in_dim3A_0 : vector<16xf32> to vector<16xf32>
      tpu.vector_store %arg6[%swap3A_629], %swap3A_632 {strides = array<i32>} : memref<16384xf32, #tpu.memory_space<vmem>>, vector<16xf32>,
    }
    %scan3A_5 = arith.constant 256 : i32
    %mul3A = arith.constant 8 : i32
    %mul3A_6 = arith.muli %arg0, %mul3A : i32
    %add3A = arith.constant 0 : i32
    %add3A_7 = arith.addi %mul3A_6, %add3A : i32
    %mul3A_8 = arith.constant 16384 : i32
    %mul3A_9 = arith.muli %add3A_7, %mul3A_8 : i32
    %mul3A_10 = arith.constant 1024 : i32
    %mul3A_11 = arith.muli %arg1, %mul3A_10 : i32
    %add3A_12 = arith.addi %mul3A_9, %mul3A_11 : i32
    %dma_start3A = tpu.memref_slice %arg2[%add3A_12] : memref<262144xi32, #tpu.memory_space<hbm>> -> memref<1024xi32, #tpu.memory_space<hbm>>
    %dma_start3A_13 = tpu.memref_slice %arg2[%add3A_12] : memref<262144xi32, #tpu.memory_space<hbm>> -> memref<1024xi32, #tpu.memory_space<hbm>>
    tpu.enqueue_dma source(%dma_start3A_13 : memref<1024xi32, #tpu.memory_space<hbm>>) target(%arg7 : memref<1024xi32, #tpu.memory_space<vmem>>) target_semaphore(%arg23 : memref<!tpu.dma_semaphore, #tpu.memory_space<semaphore_mem>>)
    %dma_start3A_14 = tpu.memref_slice %arg3[%add3A_12] : memref<262144xf32, #tpu.memory_space<hbm>> -> memref<1024xf32, #tpu.memory_space<hbm>>
    %dma_start3A_15 = tpu.memref_slice %arg3[%add3A_12] : memref<262144xf32, #tpu.memory_space<hbm>> -> memref<1024xf32, #tpu.memory_space<hbm>>
    tpu.enqueue_dma source(%dma_start3A_15 : memref<1024xf32, #tpu.memory_space<hbm>>) target(%arg15 : memref<1024xf32, #tpu.memory_space<vmem>>) target_semaphore(%arg23 : memref<!tpu.dma_semaphore, #tpu.memory_space<semaphore_mem>>)
    %mul3A_16 = arith.constant 8 : i32
    %mul3A_17 = arith.muli %arg0, %mul3A_16 : i32
    %add3A_18 = arith.constant 1 : i32
    %add3A_19 = arith.addi %mul3A_17, %add3A_18 : i32
    %mul3A_20 = arith.constant 16384 : i32
    %mul3A_21 = arith.muli %add3A_19, %mul3A_20 : i32
    %mul3A_22 = arith.constant 1024 : i32
    %mul3A_23 = arith.muli %arg1, %mul3A_22 : i32
    %add3A_24 = arith.addi %mul3A_21, %mul3A_23 : i32
    %dma_start3A_25 = tpu.memref_slice %arg2[%add3A_24] : memref<262144xi32, #tpu.memory_space<hbm>> -> memref<1024xi32, #tpu.memory_space<hbm>>
    %dma_start3A_26 = tpu.memref_slice %arg2[%add3A_24] : memref<262144xi32, #tpu.memory_space<hbm>> -> memref<1024xi32, #tpu.memory_space<hbm>>
    tpu.enqueue_dma source(%dma_start3A_26 : memref<1024xi32, #tpu.memory_space<hbm>>) target(%arg8 : memref<1024xi32, #tpu.memory_space<vmem>>) target_semaphore(%arg23 : memref<!tpu.dma_semaphore, #tpu.memory_space<semaphore_mem>>)
    %dma_start3A_27 = tpu.memref_slice %arg3[%add3A_24] : memref<262144xf32, #tpu.memory_space<hbm>> -> memref<1024xf32, #tpu.memory_space<hbm>>
    %dma_start3A_28 = tpu.memref_slice %arg3[%add3A_24] : memref<262144xf32, #tpu.memory_space<hbm>> -> memref<1024xf32, #tpu.memory_space<hbm>>
    tpu.enqueue_dma source(%dma_start3A_28 : memref<1024xf32, #tpu.memory_space<hbm>>) target(%arg16 : memref<1024xf32, #tpu.memory_space<vmem>>) target_semaphore(%arg23 : memref<!tpu.dma_semaphore, #tpu.memory_space<semaphore_mem>>)
    %mul3A_29 = arith.constant 8 : i32
    %mul3A_30 = arith.muli %arg0, %mul3A_29 : i32
    %add3A_31 = arith.constant 2 : i32
    %add3A_32 = arith.addi %mul3A_30, %add3A_31 : i32
    %mul3A_33 = arith.constant 16384 : i32
    %mul3A_34 = arith.muli %add3A_32, %mul3A_33 : i32
    %mul3A_35 = arith.constant 1024 : i32
    %mul3A_36 = arith.muli %arg1, %mul3A_35 : i32
    %add3A_37 = arith.addi %mul3A_34, %mul3A_36 : i32
    %dma_start3A_38 = tpu.memref_slice %arg2[%add3A_37] : memref<262144xi32, #tpu.memory_space<hbm>> -> memref<1024xi32, #tpu.memory_space<hbm>>
    %dma_start3A_39 = tpu.memref_slice %arg2[%add3A_37] : memref<262144xi32, #tpu.memory_space<hbm>> -> memref<1024xi32, #tpu.memory_space<hbm>>
    tpu.enqueue_dma source(%dma_start3A_39 : memref<1024xi32, #tpu.memory_space<hbm>>) target(%arg9 : memref<1024xi32, #tpu.memory_space<vmem>>) target_semaphore(%arg23 : memref<!tpu.dma_semaphore, #tpu.memory_space<semaphore_mem>>)
    %dma_start3A_40 = tpu.memref_slice %arg3[%add3A_37] : memref<262144xf32, #tpu.memory_space<hbm>> -> memref<1024xf32, #tpu.memory_space<hbm>>
    %dma_start3A_41 = tpu.memref_slice %arg3[%add3A_37] : memref<262144xf32, #tpu.memory_space<hbm>> -> memref<1024xf32, #tpu.memory_space<hbm>>
    tpu.enqueue_dma source(%dma_start3A_41 : memref<1024xf32, #tpu.memory_space<hbm>>) target(%arg17 : memref<1024xf32, #tpu.memory_space<vmem>>) target_semaphore(%arg23 : memref<!tpu.dma_semaphore, #tpu.memory_space<semaphore_mem>>)
    %mul3A_42 = arith.constant 8 : i32
    %mul3A_43 = arith.muli %arg0, %mul3A_42 : i32
    %add3A_44 = arith.constant 3 : i32
    %add3A_45 = arith.addi %mul3A_43, %add3A_44 : i32
    %mul3A_46 = arith.constant 16384 : i32
    %mul3A_47 = arith.muli %add3A_45, %mul3A_46 : i32
    %mul3A_48 = arith.constant 1024 : i32
    %mul3A_49 = arith.muli %arg1, %mul3A_48 : i32
    %add3A_50 = arith.addi %mul3A_47, %mul3A_49 : i32
    %dma_start3A_51 = tpu.memref_slice %arg2[%add3A_50] : memref<262144xi32, #tpu.memory_space<hbm>> -> memref<1024xi32, #tpu.memory_space<hbm>>
    %dma_start3A_52 = tpu.memref_slice %arg2[%add3A_50] : memref<262144xi32, #tpu.memory_space<hbm>> -> memref<1024xi32, #tpu.memory_space<hbm>>
    tpu.enqueue_dma source(%dma_start3A_52 : memref<1024xi32, #tpu.memory_space<hbm>>) target(%arg10 : memref<1024xi32, #tpu.memory_space<vmem>>) target_semaphore(%arg23 : memref<!tpu.dma_semaphore, #tpu.memory_space<semaphore_mem>>)
    %dma_start3A_53 = tpu.memref_slice %arg3[%add3A_50] : memref<262144xf32, #tpu.memory_space<hbm>> -> memref<1024xf32, #tpu.memory_space<hbm>>
    %dma_start3A_54 = tpu.memref_slice %arg3[%add3A_50] : memref<262144xf32, #tpu.memory_space<hbm>> -> memref<1024xf32, #tpu.memory_space<hbm>>
    tpu.enqueue_dma source(%dma_start3A_54 : memref<1024xf32, #tpu.memory_space<hbm>>) target(%arg18 : memref<1024xf32, #tpu.memory_space<vmem>>) target_semaphore(%arg23 : memref<!tpu.dma_semaphore, #tpu.memory_space<semaphore_mem>>)
    %mul3A_55 = arith.constant 8 : i32
    %mul3A_56 = arith.muli %arg0, %mul3A_55 : i32
    %add3A_57 = arith.constant 4 : i32
    %add3A_58 = arith.addi %mul3A_56, %add3A_57 : i32
    %mul3A_59 = arith.constant 16384 : i32
    %mul3A_60 = arith.muli %add3A_58, %mul3A_59 : i32
    %mul3A_61 = arith.constant 1024 : i32
    %mul3A_62 = arith.muli %arg1, %mul3A_61 : i32
    %add3A_63 = arith.addi %mul3A_60, %mul3A_62 : i32
    %dma_start3A_64 = tpu.memref_slice %arg2[%add3A_63] : memref<262144xi32, #tpu.memory_space<hbm>> -> memref<1024xi32, #tpu.memory_space<hbm>>
    %dma_start3A_65 = tpu.memref_slice %arg2[%add3A_63] : memref<262144xi32, #tpu.memory_space<hbm>> -> memref<1024xi32, #tpu.memory_space<hbm>>
    tpu.enqueue_dma source(%dma_start3A_65 : memref<1024xi32, #tpu.memory_space<hbm>>) target(%arg11 : memref<1024xi32, #tpu.memory_space<vmem>>) target_semaphore(%arg23 : memref<!tpu.dma_semaphore, #tpu.memory_space<semaphore_mem>>)
    %dma_start3A_66 = tpu.memref_slice %arg3[%add3A_63] : memref<262144xf32, #tpu.memory_space<hbm>> -> memref<1024xf32, #tpu.memory_space<hbm>>
    %dma_start3A_67 = tpu.memref_slice %arg3[%add3A_63] : memref<262144xf32, #tpu.memory_space<hbm>> -> memref<1024xf32, #tpu.memory_space<hbm>>
    tpu.enqueue_dma source(%dma_start3A_67 : memref<1024xf32, #tpu.memory_space<hbm>>) target(%arg19 : memref<1024xf32, #tpu.memory_space<vmem>>) target_semaphore(%arg23 : memref<!tpu.dma_semaphore, #tpu.memory_space<semaphore_mem>>)
    %mul3A_68 = arith.constant 8 : i32
    %mul3A_69 = arith.muli %arg0, %mul3A_68 : i32
    %add3A_70 = arith.constant 5 : i32
    %add3A_71 = arith.addi %mul3A_69, %add3A_70 : i32
    %mul3A_72 = arith.constant 16384 : i32
    %mul3A_73 = arith.muli %add3A_71, %mul3A_72 : i32
    %mul3A_74 = arith.constant 1024 : i32
    %mul3A_75 = arith.muli %arg1, %mul3A_74 : i32
    %add3A_76 = arith.addi %mul3A_73, %mul3A_75 : i32
    %dma_start3A_77 = tpu.memref_slice %arg2[%add3A_76] : memref<262144xi32, #tpu.memory_space<hbm>> -> memref<1024xi32, #tpu.memory_space<hbm>>
    %dma_start3A_78 = tpu.memref_slice %arg2[%add3A_76] : memref<262144xi32, #tpu.memory_space<hbm>> -> memref<1024xi32, #tpu.memory_space<hbm>>
    tpu.enqueue_dma source(%dma_start3A_78 : memref<1024xi32, #tpu.memory_space<hbm>>) target(%arg12 : memref<1024xi32, #tpu.memory_space<vmem>>) target_semaphore(%arg23 : memref<!tpu.dma_semaphore, #tpu.memory_space<semaphore_mem>>)
    %dma_start3A_79 = tpu.memref_slice %arg3[%add3A_76] : memref<262144xf32, #tpu.memory_space<hbm>> -> memref<1024xf32, #tpu.memory_space<hbm>>
    %dma_start3A_80 = tpu.memref_slice %arg3[%add3A_76] : memref<262144xf32, #tpu.memory_space<hbm>> -> memref<1024xf32, #tpu.memory_space<hbm>>
    tpu.enqueue_dma source(%dma_start3A_80 : memref<1024xf32, #tpu.memory_space<hbm>>) target(%arg20 : memref<1024xf32, #tpu.memory_space<vmem>>) target_semaphore(%arg23 : memref<!tpu.dma_semaphore, #tpu.memory_space<semaphore_mem>>)
    %mul3A_81 = arith.constant 8 : i32
    %mul3A_82 = arith.muli %arg0, %mul3A_81 : i32
    %add3A_83 = arith.constant 6 : i32
    %add3A_84 = arith.addi %mul3A_82, %add3A_83 : i32
    %mul3A_85 = arith.constant 16384 : i32
    %mul3A_86 = arith.muli %add3A_84, %mul3A_85 : i32
    %mul3A_87 = arith.constant 1024 : i32
    %mul3A_88 = arith.muli %arg1, %mul3A_87 : i32
    %add3A_89 = arith.addi %mul3A_86, %mul3A_88 : i32
    %dma_start3A_90 = tpu.memref_slice %arg2[%add3A_89] : memref<262144xi32, #tpu.memory_space<hbm>> -> memref<1024xi32, #tpu.memory_space<hbm>>
    %dma_start3A_91 = tpu.memref_slice %arg2[%add3A_89] : memref<262144xi32, #tpu.memory_space<hbm>> -> memref<1024xi32, #tpu.memory_space<hbm>>
    tpu.enqueue_dma source(%dma_start3A_91 : memref<1024xi32, #tpu.memory_space<hbm>>) target(%arg13 : memref<1024xi32, #tpu.memory_space<vmem>>) target_semaphore(%arg23 : memref<!tpu.dma_semaphore, #tpu.memory_space<semaphore_mem>>)
    %dma_start3A_92 = tpu.memref_slice %arg3[%add3A_89] : memref<262144xf32, #tpu.memory_space<hbm>> -> memref<1024xf32, #tpu.memory_space<hbm>>
    %dma_start3A_93 = tpu.memref_slice %arg3[%add3A_89] : memref<262144xf32, #tpu.memory_space<hbm>> -> memref<1024xf32, #tpu.memory_space<hbm>>
    tpu.enqueue_dma source(%dma_start3A_93 : memref<1024xf32, #tpu.memory_space<hbm>>) target(%arg21 : memref<1024xf32, #tpu.memory_space<vmem>>) target_semaphore(%arg23 : memref<!tpu.dma_semaphore, #tpu.memory_space<semaphore_mem>>)
    %mul3A_94 = arith.constant 8 : i32
    %mul3A_95 = arith.muli %arg0, %mul3A_94 : i32
    %add3A_96 = arith.constant 7 : i32
    %add3A_97 = arith.addi %mul3A_95, %add3A_96 : i32
    %mul3A_98 = arith.constant 16384 : i32
    %mul3A_99 = arith.muli %add3A_97, %mul3A_98 : i32
    %mul3A_100 = arith.constant 1024 : i32
    %mul3A_101 = arith.muli %arg1, %mul3A_100 : i32
    %add3A_102 = arith.addi %mul3A_99, %mul3A_101 : i32
    %dma_start3A_103 = tpu.memref_slice %arg2[%add3A_102] : memref<262144xi32, #tpu.memory_space<hbm>> -> memref<1024xi32, #tpu.memory_space<hbm>>
    %dma_start3A_104 = tpu.memref_slice %arg2[%add3A_102] : memref<262144xi32, #tpu.memory_space<hbm>> -> memref<1024xi32, #tpu.memory_space<hbm>>
    tpu.enqueue_dma source(%dma_start3A_104 : memref<1024xi32, #tpu.memory_space<hbm>>) target(%arg14 : memref<1024xi32, #tpu.memory_space<vmem>>) target_semaphore(%arg23 : memref<!tpu.dma_semaphore, #tpu.memory_space<semaphore_mem>>)
    %dma_start3A_105 = tpu.memref_slice %arg3[%add3A_102] : memref<262144xf32, #tpu.memory_space<hbm>> -> memref<1024xf32, #tpu.memory_space<hbm>>
    %dma_start3A_106 = tpu.memref_slice %arg3[%add3A_102] : memref<262144xf32, #tpu.memory_space<hbm>> -> memref<1024xf32, #tpu.memory_space<hbm>>
    tpu.enqueue_dma source(%dma_start3A_106 : memref<1024xf32, #tpu.memory_space<hbm>>) target(%arg22 : memref<1024xf32, #tpu.memory_space<vmem>>) target_semaphore(%arg23 : memref<!tpu.dma_semaphore, #tpu.memory_space<semaphore_mem>>)
    %mul3A_107 = arith.constant 8 : i32
    %mul3A_108 = arith.muli %arg0, %mul3A_107 : i32
    %add3A_109 = arith.constant 0 : i32
    %add3A_110 = arith.addi %mul3A_108, %add3A_109 : i32
    %mul3A_111 = arith.constant 16384 : i32
    %mul3A_112 = arith.muli %add3A_110, %mul3A_111 : i32
    %mul3A_113 = arith.constant 1024 : i32
    %mul3A_114 = arith.muli %arg1, %mul3A_113 : i32
    %add3A_115 = arith.addi %mul3A_112, %mul3A_114 : i32
    %dma_wait3A = tpu.memref_slice %arg2[%add3A_115] : memref<262144xi32, #tpu.memory_space<hbm>> -> memref<1024xi32, #tpu.memory_space<hbm>>
    %dma_wait3A_116 = tpu.memref_slice %arg2[%add3A_115] : memref<262144xi32, #tpu.memory_space<hbm>> -> memref<1024xi32, #tpu.memory_space<hbm>>
    tpu.wait_dma2 semaphore(%arg23 : memref<!tpu.dma_semaphore, #tpu.memory_space<semaphore_mem>>) src(%dma_wait3A_116 : memref<1024xi32, #tpu.memory_space<hbm>>) dst(%arg7 : memref<1024xi32, #tpu.memory_space<vmem>>)
    %dma_wait3A_117 = tpu.memref_slice %arg3[%add3A_115] : memref<262144xf32, #tpu.memory_space<hbm>> -> memref<1024xf32, #tpu.memory_space<hbm>>
    %dma_wait3A_118 = tpu.memref_slice %arg3[%add3A_115] : memref<262144xf32, #tpu.memory_space<hbm>> -> memref<1024xf32, #tpu.memory_space<hbm>>
    tpu.wait_dma2 semaphore(%arg23 : memref<!tpu.dma_semaphore, #tpu.memory_space<semaphore_mem>>) src(%dma_wait3A_118 : memref<1024xf32, #tpu.memory_space<hbm>>) dst(%arg15 : memref<1024xf32, #tpu.memory_space<vmem>>)
    %mul3A_119 = arith.constant 8 : i32
    %mul3A_120 = arith.muli %arg0, %mul3A_119 : i32
    %add3A_121 = arith.constant 1 : i32
    %add3A_122 = arith.addi %mul3A_120, %add3A_121 : i32
    %mul3A_123 = arith.constant 16384 : i32
    %mul3A_124 = arith.muli %add3A_122, %mul3A_123 : i32
    %mul3A_125 = arith.constant 1024 : i32
    %mul3A_126 = arith.muli %arg1, %mul3A_125 : i32
    %add3A_127 = arith.addi %mul3A_124, %mul3A_126 : i32
    %dma_wait3A_128 = tpu.memref_slice %arg2[%add3A_127] : memref<262144xi32, #tpu.memory_space<hbm>> -> memref<1024xi32, #tpu.memory_space<hbm>>
    %dma_wait3A_129 = tpu.memref_slice %arg2[%add3A_127] : memref<262144xi32, #tpu.memory_space<hbm>> -> memref<1024xi32, #tpu.memory_space<hbm>>
    tpu.wait_dma2 semaphore(%arg23 : memref<!tpu.dma_semaphore, #tpu.memory_space<semaphore_mem>>) src(%dma_wait3A_129 : memref<1024xi32, #tpu.memory_space<hbm>>) dst(%arg8 : memref<1024xi32, #tpu.memory_space<vmem>>)
    %dma_wait3A_130 = tpu.memref_slice %arg3[%add3A_127] : memref<262144xf32, #tpu.memory_space<hbm>> -> memref<1024xf32, #tpu.memory_space<hbm>>
    %dma_wait3A_131 = tpu.memref_slice %arg3[%add3A_127] : memref<262144xf32, #tpu.memory_space<hbm>> -> memref<1024xf32, #tpu.memory_space<hbm>>
    tpu.wait_dma2 semaphore(%arg23 : memref<!tpu.dma_semaphore, #tpu.memory_space<semaphore_mem>>) src(%dma_wait3A_131 : memref<1024xf32, #tpu.memory_space<hbm>>) dst(%arg16 : memref<1024xf32, #tpu.memory_space<vmem>>)
    %mul3A_132 = arith.constant 8 : i32
    %mul3A_133 = arith.muli %arg0, %mul3A_132 : i32
    %add3A_134 = arith.constant 2 : i32
    %add3A_135 = arith.addi %mul3A_133, %add3A_134 : i32
    %mul3A_136 = arith.constant 16384 : i32
    %mul3A_137 = arith.muli %add3A_135, %mul3A_136 : i32
    %mul3A_138 = arith.constant 1024 : i32
    %mul3A_139 = arith.muli %arg1, %mul3A_138 : i32
    %add3A_140 = arith.addi %mul3A_137, %mul3A_139 : i32
    %dma_wait3A_141 = tpu.memref_slice %arg2[%add3A_140] : memref<262144xi32, #tpu.memory_space<hbm>> -> memref<1024xi32, #tpu.memory_space<hbm>>
    %dma_wait3A_142 = tpu.memref_slice %arg2[%add3A_140] : memref<262144xi32, #tpu.memory_space<hbm>> -> memref<1024xi32, #tpu.memory_space<hbm>>
    tpu.wait_dma2 semaphore(%arg23 : memref<!tpu.dma_semaphore, #tpu.memory_space<semaphore_mem>>) src(%dma_wait3A_142 : memref<1024xi32, #tpu.memory_space<hbm>>) dst(%arg9 : memref<1024xi32, #tpu.memory_space<vmem>>)
    %dma_wait3A_143 = tpu.memref_slice %arg3[%add3A_140] : memref<262144xf32, #tpu.memory_space<hbm>> -> memref<1024xf32, #tpu.memory_space<hbm>>
    %dma_wait3A_144 = tpu.memref_slice %arg3[%add3A_140] : memref<262144xf32, #tpu.memory_space<hbm>> -> memref<1024xf32, #tpu.memory_space<hbm>>
    tpu.wait_dma2 semaphore(%arg23 : memref<!tpu.dma_semaphore, #tpu.memory_space<semaphore_mem>>) src(%dma_wait3A_144 : memref<1024xf32, #tpu.memory_space<hbm>>) dst(%arg17 : memref<1024xf32, #tpu.memory_space<vmem>>)
    %mul3A_145 = arith.constant 8 : i32
    %mul3A_146 = arith.muli %arg0, %mul3A_145 : i32
    %add3A_147 = arith.constant 3 : i32
    %add3A_148 = arith.addi %mul3A_146, %add3A_147 : i32
    %mul3A_149 = arith.constant 16384 : i32
    %mul3A_150 = arith.muli %add3A_148, %mul3A_149 : i32
    %mul3A_151 = arith.constant 1024 : i32
    %mul3A_152 = arith.muli %arg1, %mul3A_151 : i32
    %add3A_153 = arith.addi %mul3A_150, %mul3A_152 : i32
    %dma_wait3A_154 = tpu.memref_slice %arg2[%add3A_153] : memref<262144xi32, #tpu.memory_space<hbm>> -> memref<1024xi32, #tpu.memory_space<hbm>>
    %dma_wait3A_155 = tpu.memref_slice %arg2[%add3A_153] : memref<262144xi32, #tpu.memory_space<hbm>> -> memref<1024xi32, #tpu.memory_space<hbm>>
    tpu.wait_dma2 semaphore(%arg23 : memref<!tpu.dma_semaphore, #tpu.memory_space<semaphore_mem>>) src(%dma_wait3A_155 : memref<1024xi32, #tpu.memory_space<hbm>>) dst(%arg10 : memref<1024xi32, #tpu.memory_space<vmem>>)
    %dma_wait3A_156 = tpu.memref_slice %arg3[%add3A_153] : memref<262144xf32, #tpu.memory_space<hbm>> -> memref<1024xf32, #tpu.memory_space<hbm>>
    %dma_wait3A_157 = tpu.memref_slice %arg3[%add3A_153] : memref<262144xf32, #tpu.memory_space<hbm>> -> memref<1024xf32, #tpu.memory_space<hbm>>
    tpu.wait_dma2 semaphore(%arg23 : memref<!tpu.dma_semaphore, #tpu.memory_space<semaphore_mem>>) src(%dma_wait3A_157 : memref<1024xf32, #tpu.memory_space<hbm>>) dst(%arg18 : memref<1024xf32, #tpu.memory_space<vmem>>)
    %mul3A_158 = arith.constant 8 : i32
    %mul3A_159 = arith.muli %arg0, %mul3A_158 : i32
    %add3A_160 = arith.constant 4 : i32
    %add3A_161 = arith.addi %mul3A_159, %add3A_160 : i32
    %mul3A_162 = arith.constant 16384 : i32
    %mul3A_163 = arith.muli %add3A_161, %mul3A_162 : i32
    %mul3A_164 = arith.constant 1024 : i32
    %mul3A_165 = arith.muli %arg1, %mul3A_164 : i32
    %add3A_166 = arith.addi %mul3A_163, %mul3A_165 : i32
    %dma_wait3A_167 = tpu.memref_slice %arg2[%add3A_166] : memref<262144xi32, #tpu.memory_space<hbm>> -> memref<1024xi32, #tpu.memory_space<hbm>>
    %dma_wait3A_168 = tpu.memref_slice %arg2[%add3A_166] : memref<262144xi32, #tpu.memory_space<hbm>> -> memref<1024xi32, #tpu.memory_space<hbm>>
    tpu.wait_dma2 semaphore(%arg23 : memref<!tpu.dma_semaphore, #tpu.memory_space<semaphore_mem>>) src(%dma_wait3A_168 : memref<1024xi32, #tpu.memory_space<hbm>>) dst(%arg11 : memref<1024xi32, #tpu.memory_space<vmem>>)
    %dma_wait3A_169 = tpu.memref_slice %arg3[%add3A_166] : memref<262144xf32, #tpu.memory_space<hbm>> -> memref<1024xf32, #tpu.memory_space<hbm>>
    %dma_wait3A_170 = tpu.memref_slice %arg3[%add3A_166] : memref<262144xf32, #tpu.memory_space<hbm>> -> memref<1024xf32, #tpu.memory_space<hbm>>
    tpu.wait_dma2 semaphore(%arg23 : memref<!tpu.dma_semaphore, #tpu.memory_space<semaphore_mem>>) src(%dma_wait3A_170 : memref<1024xf32, #tpu.memory_space<hbm>>) dst(%arg19 : memref<1024xf32, #tpu.memory_space<vmem>>)
    %mul3A_171 = arith.constant 8 : i32
    %mul3A_172 = arith.muli %arg0, %mul3A_171 : i32
    %add3A_173 = arith.constant 5 : i32
    %add3A_174 = arith.addi %mul3A_172, %add3A_173 : i32
    %mul3A_175 = arith.constant 16384 : i32
    %mul3A_176 = arith.muli %add3A_174, %mul3A_175 : i32
    %mul3A_177 = arith.constant 1024 : i32
    %mul3A_178 = arith.muli %arg1, %mul3A_177 : i32
    %add3A_179 = arith.addi %mul3A_176, %mul3A_178 : i32
    %dma_wait3A_180 = tpu.memref_slice %arg2[%add3A_179] : memref<262144xi32, #tpu.memory_space<hbm>> -> memref<1024xi32, #tpu.memory_space<hbm>>
    %dma_wait3A_181 = tpu.memref_slice %arg2[%add3A_179] : memref<262144xi32, #tpu.memory_space<hbm>> -> memref<1024xi32, #tpu.memory_space<hbm>>
    tpu.wait_dma2 semaphore(%arg23 : memref<!tpu.dma_semaphore, #tpu.memory_space<semaphore_mem>>) src(%dma_wait3A_181 : memref<1024xi32, #tpu.memory_space<hbm>>) dst(%arg12 : memref<1024xi32, #tpu.memory_space<vmem>>)
    %dma_wait3A_182 = tpu.memref_slice %arg3[%add3A_179] : memref<262144xf32, #tpu.memory_space<hbm>> -> memref<1024xf32, #tpu.memory_space<hbm>>
    %dma_wait3A_183 = tpu.memref_slice %arg3[%add3A_179] : memref<262144xf32, #tpu.memory_space<hbm>> -> memref<1024xf32, #tpu.memory_space<hbm>>
    tpu.wait_dma2 semaphore(%arg23 : memref<!tpu.dma_semaphore, #tpu.memory_space<semaphore_mem>>) src(%dma_wait3A_183 : memref<1024xf32, #tpu.memory_space<hbm>>) dst(%arg20 : memref<1024xf32, #tpu.memory_space<vmem>>)
    %mul3A_184 = arith.constant 8 : i32
    %mul3A_185 = arith.muli %arg0, %mul3A_184 : i32
    %add3A_186 = arith.constant 6 : i32
    %add3A_187 = arith.addi %mul3A_185, %add3A_186 : i32
    %mul3A_188 = arith.constant 16384 : i32
    %mul3A_189 = arith.muli %add3A_187, %mul3A_188 : i32
    %mul3A_190 = arith.constant 1024 : i32
    %mul3A_191 = arith.muli %arg1, %mul3A_190 : i32
    %add3A_192 = arith.addi %mul3A_189, %mul3A_191 : i32
    %dma_wait3A_193 = tpu.memref_slice %arg2[%add3A_192] : memref<262144xi32, #tpu.memory_space<hbm>> -> memref<1024xi32, #tpu.memory_space<hbm>>
    %dma_wait3A_194 = tpu.memref_slice %arg2[%add3A_192] : memref<262144xi32, #tpu.memory_space<hbm>> -> memref<1024xi32, #tpu.memory_space<hbm>>
    tpu.wait_dma2 semaphore(%arg23 : memref<!tpu.dma_semaphore, #tpu.memory_space<semaphore_mem>>) src(%dma_wait3A_194 : memref<1024xi32, #tpu.memory_space<hbm>>) dst(%arg13 : memref<1024xi32, #tpu.memory_space<vmem>>)
    %dma_wait3A_195 = tpu.memref_slice %arg3[%add3A_192] : memref<262144xf32, #tpu.memory_space<hbm>> -> memref<1024xf32, #tpu.memory_space<hbm>>
    %dma_wait3A_196 = tpu.memref_slice %arg3[%add3A_192] : memref<262144xf32, #tpu.memory_space<hbm>> -> memref<1024xf32, #tpu.memory_space<hbm>>
    tpu.wait_dma2 semaphore(%arg23 : memref<!tpu.dma_semaphore, #tpu.memory_space<semaphore_mem>>) src(%dma_wait3A_196 : memref<1024xf32, #tpu.memory_space<hbm>>) dst(%arg21 : memref<1024xf32, #tpu.memory_space<vmem>>)
    %mul3A_197 = arith.constant 8 : i32
    %mul3A_198 = arith.muli %arg0, %mul3A_197 : i32
    %add3A_199 = arith.constant 7 : i32
    %add3A_200 = arith.addi %mul3A_198, %add3A_199 : i32
    %mul3A_201 = arith.constant 16384 : i32
    %mul3A_202 = arith.muli %add3A_200, %mul3A_201 : i32
    %mul3A_203 = arith.constant 1024 : i32
    %mul3A_204 = arith.muli %arg1, %mul3A_203 : i32
    %add3A_205 = arith.addi %mul3A_202, %mul3A_204 : i32
    %dma_wait3A_206 = tpu.memref_slice %arg2[%add3A_205] : memref<262144xi32, #tpu.memory_space<hbm>> -> memref<1024xi32, #tpu.memory_space<hbm>>
    %dma_wait3A_207 = tpu.memref_slice %arg2[%add3A_205] : memref<262144xi32, #tpu.memory_space<hbm>> -> memref<1024xi32, #tpu.memory_space<hbm>>
    tpu.wait_dma2 semaphore(%arg23 : memref<!tpu.dma_semaphore, #tpu.memory_space<semaphore_mem>>) src(%dma_wait3A_207 : memref<1024xi32, #tpu.memory_space<hbm>>) dst(%arg14 : memref<1024xi32, #tpu.memory_space<vmem>>)
    %dma_wait3A_208 = tpu.memref_slice %arg3[%add3A_205] : memref<262144xf32, #tpu.memory_space<hbm>> -> memref<1024xf32, #tpu.memory_space<hbm>>
    %dma_wait3A_209 = tpu.memref_slice %arg3[%add3A_205] : memref<262144xf32, #tpu.memory_space<hbm>> -> memref<1024xf32, #tpu.memory_space<hbm>>
    tpu.wait_dma2 semaphore(%arg23 : memref<!tpu.dma_semaphore, #tpu.memory_space<semaphore_mem>>) src(%dma_wait3A_209 : memref<1024xf32, #tpu.memory_space<hbm>>) dst(%arg22 : memref<1024xf32, #tpu.memory_space<vmem>>)
    %mul3A_210 = arith.constant 65536 : i32
    %mul3A_211 = arith.muli %arg1, %mul3A_210 : i32
    %add3A_212 = arith.constant 0 : i32
    %add3A_213 = arith.addi %mul3A_211, %add3A_212 : i32
    %dma_start3A_214 = tpu.memref_slice %arg5[%add3A_213] : memref<1048576xf32, #tpu.memory_space<vmem_shared>> -> memref<16384xf32, #tpu.memory_space<vmem_shared>>
    %dma_start3A_215 = tpu.memref_slice %arg5[%add3A_213] : memref<1048576xf32, #tpu.memory_space<vmem_shared>> -> memref<16384xf32, #tpu.memory_space<vmem_shared>>
    tpu.enqueue_dma source(%arg6 : memref<16384xf32, #tpu.memory_space<vmem>>) target(%dma_start3A_215 : memref<16384xf32, #tpu.memory_space<vmem_shared>>) target_semaphore(%arg24 : memref<!tpu.dma_semaphore, #tpu.memory_space<semaphore_mem>>)
    %add3A_216 = arith.constant 16384 : i32
    %add3A_217 = arith.addi %mul3A_211, %add3A_216 : i32
    %dma_start3A_218 = tpu.memref_slice %arg5[%add3A_217] : memref<1048576xf32, #tpu.memory_space<vmem_shared>> -> memref<16384xf32, #tpu.memory_space<vmem_shared>>
    %dma_start3A_219 = tpu.memref_slice %arg5[%add3A_217] : memref<1048576xf32, #tpu.memory_space<vmem_shared>> -> memref<16384xf32, #tpu.memory_space<vmem_shared>>
    tpu.enqueue_dma source(%arg6 : memref<16384xf32, #tpu.memory_space<vmem>>) target(%dma_start3A_219 : memref<16384xf32, #tpu.memory_space<vmem_shared>>) target_semaphore(%arg24 : memref<!tpu.dma_semaphore, #tpu.memory_space<semaphore_mem>>)
    %add3A_220 = arith.constant 32768 : i32
    %add3A_221 = arith.addi %mul3A_211, %add3A_220 : i32
    %dma_start3A_222 = tpu.memref_slice %arg5[%add3A_221] : memref<1048576xf32, #tpu.memory_space<vmem_shared>> -> memref<16384xf32, #tpu.memory_space<vmem_shared>>
    %dma_start3A_223 = tpu.memref_slice %arg5[%add3A_221] : memref<1048576xf32, #tpu.memory_space<vmem_shared>> -> memref<16384xf32, #tpu.memory_space<vmem_shared>>
    tpu.enqueue_dma source(%arg6 : memref<16384xf32, #tpu.memory_space<vmem>>) target(%dma_start3A_223 : memref<16384xf32, #tpu.memory_space<vmem_shared>>) target_semaphore(%arg24 : memref<!tpu.dma_semaphore, #tpu.memory_space<semaphore_mem>>)
    %add3A_224 = arith.constant 49152 : i32
    %add3A_225 = arith.addi %mul3A_211, %add3A_224 : i32
    %dma_start3A_226 = tpu.memref_slice %arg5[%add3A_225] : memref<1048576xf32, #tpu.memory_space<vmem_shared>> -> memref<16384xf32, #tpu.memory_space<vmem_shared>>
    %dma_start3A_227 = tpu.memref_slice %arg5[%add3A_225] : memref<1048576xf32, #tpu.memory_space<vmem_shared>> -> memref<16384xf32, #tpu.memory_space<vmem_shared>>
    tpu.enqueue_dma source(%arg6 : memref<16384xf32, #tpu.memory_space<vmem>>) target(%dma_start3A_227 : memref<16384xf32, #tpu.memory_space<vmem_shared>>) target_semaphore(%arg24 : memref<!tpu.dma_semaphore, #tpu.memory_space<semaphore_mem>>)
    %add3A_228 = arith.constant 0 : i32
    %add3A_229 = arith.addi %mul3A_211, %add3A_228 : i32
    %dma_wait3A_230 = tpu.memref_slice %arg5[%add3A_229] : memref<1048576xf32, #tpu.memory_space<vmem_shared>> -> memref<16384xf32, #tpu.memory_space<vmem_shared>>
    %dma_wait3A_231 = tpu.memref_slice %arg5[%add3A_229] : memref<1048576xf32, #tpu.memory_space<vmem_shared>> -> memref<16384xf32, #tpu.memory_space<vmem_shared>>
    tpu.wait_dma2 semaphore(%arg24 : memref<!tpu.dma_semaphore, #tpu.memory_space<semaphore_mem>>) src(%arg6 : memref<16384xf32, #tpu.memory_space<vmem>>) dst(%dma_wait3A_231 : memref<16384xf32, #tpu.memory_space<vmem_shared>>)
    %add3A_232 = arith.constant 16384 : i32
    %add3A_233 = arith.addi %mul3A_211, %add3A_232 : i32
    %dma_wait3A_234 = tpu.memref_slice %arg5[%add3A_233] : memref<1048576xf32, #tpu.memory_space<vmem_shared>> -> memref<16384xf32, #tpu.memory_space<vmem_shared>>
    %dma_wait3A_235 = tpu.memref_slice %arg5[%add3A_233] : memref<1048576xf32, #tpu.memory_space<vmem_shared>> -> memref<16384xf32, #tpu.memory_space<vmem_shared>>
    tpu.wait_dma2 semaphore(%arg24 : memref<!tpu.dma_semaphore, #tpu.memory_space<semaphore_mem>>) src(%arg6 : memref<16384xf32, #tpu.memory_space<vmem>>) dst(%dma_wait3A_235 : memref<16384xf32, #tpu.memory_space<vmem_shared>>)
    %add3A_236 = arith.constant 32768 : i32
    %add3A_237 = arith.addi %mul3A_211, %add3A_236 : i32
    %dma_wait3A_238 = tpu.memref_slice %arg5[%add3A_237] : memref<1048576xf32, #tpu.memory_space<vmem_shared>> -> memref<16384xf32, #tpu.memory_space<vmem_shared>>
    %dma_wait3A_239 = tpu.memref_slice %arg5[%add3A_237] : memref<1048576xf32, #tpu.memory_space<vmem_shared>> -> memref<16384xf32, #tpu.memory_space<vmem_shared>>
    tpu.wait_dma2 semaphore(%arg24 : memref<!tpu.dma_semaphore, #tpu.memory_space<semaphore_mem>>) src(%arg6 : memref<16384xf32, #tpu.memory_space<vmem>>) dst(%dma_wait3A_239 : memref<16384xf32, #tpu.memory_space<vmem_shared>>)
    %add3A_240 = arith.constant 49152 : i32
    %add3A_241 = arith.addi %mul3A_211, %add3A_240 : i32
    %dma_wait3A_242 = tpu.memref_slice %arg5[%add3A_241] : memref<1048576xf32, #tpu.memory_space<vmem_shared>> -> memref<16384xf32, #tpu.memory_space<vmem_shared>>
    %dma_wait3A_243 = tpu.memref_slice %arg5[%add3A_241] : memref<1048576xf32, #tpu.memory_space<vmem_shared>> -> memref<16384xf32, #tpu.memory_space<vmem_shared>>
    tpu.wait_dma2 semaphore(%arg24 : memref<!tpu.dma_semaphore, #tpu.memory_space<semaphore_mem>>) src(%arg6 : memref<16384xf32, #tpu.memory_space<vmem>>) dst(%dma_wait3A_243 : memref<16384xf32, #tpu.memory_space<vmem_shared>>)
    %barrier3A = arith.constant 0 : index
    tpu.barrier barrier_id(%barrier3A)
    %dma_start3A_244 = arith.constant 0 : i32
    %dma_start3A_245 = tpu.memref_slice %arg5[%dma_start3A_244] : memref<1048576xf32, #tpu.memory_space<vmem_shared>> -> memref<1048576xf32, #tpu.memory_space<vmem_shared>>
    tpu.enqueue_indirect_dma source(%arg15 : memref<1024xf32, #tpu.memory_space<vmem>>) target(%dma_start3A_245 : memref<1048576xf32, #tpu.memory_space<vmem_shared>>) offsets(%arg7 : memref<1024xi32, #tpu.memory_space<vmem>>) semaphore(%arg24 : memref<!tpu.dma_semaphore, #tpu.memory_space<semaphore_mem>>)
    %dma_wait3A_246 = arith.constant 0 : i32
    %dma_wait3A_247 = tpu.memref_slice %arg5[%dma_wait3A_246] : memref<1048576xf32, #tpu.memory_space<vmem_shared>> -> memref<1048576xf32, #tpu.memory_space<vmem_shared>>
    tpu.wait_indirect_dma semaphore(%arg24 : memref<!tpu.dma_semaphore, #tpu.memory_space<semaphore_mem>>) src(%arg15 : memref<1024xf32, #tpu.memory_space<vmem>>) dst(%dma_wait3A_247 : memref<1048576xf32, #tpu.memory_space<vmem_shared>>)
    %barrier3A_248 = arith.constant 0 : index
    tpu.barrier barrier_id(%barrier3A_248)
    %mul3A_249 = arith.constant 8 : i32
    %mul3A_250 = arith.muli %arg0, %mul3A_249 : i32
    %add3A_251 = arith.constant 0 : i32
    %add3A_252 = arith.addi %mul3A_250, %add3A_251 : i32
    %mul3A_253 = arith.constant 1048576 : i32
    %mul3A_254 = arith.muli %add3A_252, %mul3A_253 : i32
    %add3A_255 = arith.addi %mul3A_254, %mul3A_211 : i32
    %dma_start3A_256 = tpu.memref_slice %arg4[%add3A_255] : memref<16777216xf32, #tpu.memory_space<hbm>> -> memref<65536xf32, #tpu.memory_space<hbm>>
    %dma_start3A_257 = tpu.memref_slice %arg5[%mul3A_211] : memref<1048576xf32, #tpu.memory_space<vmem_shared>> -> memref<65536xf32, #tpu.memory_space<vmem_shared>>
    tpu.enqueue_dma source(%dma_start3A_257 : memref<65536xf32, #tpu.memory_space<vmem_shared>>) target(%dma_start3A_256 : memref<65536xf32, #tpu.memory_space<hbm>>) target_semaphore(%arg25 : memref<!tpu.dma_semaphore, #tpu.memory_space<semaphore_mem>>)
    %dma_wait3A_258 = tpu.memref_slice %arg4[%add3A_255] : memref<16777216xf32, #tpu.memory_space<hbm>> -> memref<65536xf32, #tpu.memory_space<hbm>>
    %dma_wait3A_259 = tpu.memref_slice %arg5[%mul3A_211] : memref<1048576xf32, #tpu.memory_space<vmem_shared>> -> memref<65536xf32, #tpu.memory_space<vmem_shared>>
    tpu.wait_dma2 semaphore(%arg25 : memref<!tpu.dma_semaphore, #tpu.memory_space<semaphore_mem>>) src(%dma_wait3A_259 : memref<65536xf32, #tpu.memory_space<vmem_shared>>) dst(%dma_wait3A_258 : memref<65536xf32, #tpu.memory_space<hbm>>)
    %add3A_260 = arith.constant 0 : i32
    %add3A_261 = arith.addi %mul3A_211, %add3A_260 : i32
    %dma_start3A_262 = tpu.memref_slice %arg5[%add3A_261] : memref<1048576xf32, #tpu.memory_space<vmem_shared>> -> memref<16384xf32, #tpu.memory_space<vmem_shared>>
    %dma_start3A_263 = tpu.memref_slice %arg5[%add3A_261] : memref<1048576xf32, #tpu.memory_space<vmem_shared>> -> memref<16384xf32, #tpu.memory_space<vmem_shared>>
    tpu.enqueue_dma source(%arg6 : memref<16384xf32, #tpu.memory_space<vmem>>) target(%dma_start3A_263 : memref<16384xf32, #tpu.memory_space<vmem_shared>>) target_semaphore(%arg24 : memref<!tpu.dma_semaphore, #tpu.memory_space<semaphore_mem>>)
    %add3A_264 = arith.constant 16384 : i32
    %add3A_265 = arith.addi %mul3A_211, %add3A_264 : i32
    %dma_start3A_266 = tpu.memref_slice %arg5[%add3A_265] : memref<1048576xf32, #tpu.memory_space<vmem_shared>> -> memref<16384xf32, #tpu.memory_space<vmem_shared>>
    %dma_start3A_267 = tpu.memref_slice %arg5[%add3A_265] : memref<1048576xf32, #tpu.memory_space<vmem_shared>> -> memref<16384xf32, #tpu.memory_space<vmem_shared>>
    tpu.enqueue_dma source(%arg6 : memref<16384xf32, #tpu.memory_space<vmem>>) target(%dma_start3A_267 : memref<16384xf32, #tpu.memory_space<vmem_shared>>) target_semaphore(%arg24 : memref<!tpu.dma_semaphore, #tpu.memory_space<semaphore_mem>>)
    %add3A_268 = arith.constant 32768 : i32
    %add3A_269 = arith.addi %mul3A_211, %add3A_268 : i32
    %dma_start3A_270 = tpu.memref_slice %arg5[%add3A_269] : memref<1048576xf32, #tpu.memory_space<vmem_shared>> -> memref<16384xf32, #tpu.memory_space<vmem_shared>>
    %dma_start3A_271 = tpu.memref_slice %arg5[%add3A_269] : memref<1048576xf32, #tpu.memory_space<vmem_shared>> -> memref<16384xf32, #tpu.memory_space<vmem_shared>>
    tpu.enqueue_dma source(%arg6 : memref<16384xf32, #tpu.memory_space<vmem>>) target(%dma_start3A_271 : memref<16384xf32, #tpu.memory_space<vmem_shared>>) target_semaphore(%arg24 : memref<!tpu.dma_semaphore, #tpu.memory_space<semaphore_mem>>)
    %add3A_272 = arith.constant 49152 : i32
    %add3A_273 = arith.addi %mul3A_211, %add3A_272 : i32
    %dma_start3A_274 = tpu.memref_slice %arg5[%add3A_273] : memref<1048576xf32, #tpu.memory_space<vmem_shared>> -> memref<16384xf32, #tpu.memory_space<vmem_shared>>
    %dma_start3A_275 = tpu.memref_slice %arg5[%add3A_273] : memref<1048576xf32, #tpu.memory_space<vmem_shared>> -> memref<16384xf32, #tpu.memory_space<vmem_shared>>
    tpu.enqueue_dma source(%arg6 : memref<16384xf32, #tpu.memory_space<vmem>>) target(%dma_start3A_275 : memref<16384xf32, #tpu.memory_space<vmem_shared>>) target_semaphore(%arg24 : memref<!tpu.dma_semaphore, #tpu.memory_space<semaphore_mem>>)
    %add3A_276 = arith.constant 0 : i32
    %add3A_277 = arith.addi %mul3A_211, %add3A_276 : i32
    %dma_wait3A_278 = tpu.memref_slice %arg5[%add3A_277] : memref<1048576xf32, #tpu.memory_space<vmem_shared>> -> memref<16384xf32, #tpu.memory_space<vmem_shared>>
    %dma_wait3A_279 = tpu.memref_slice %arg5[%add3A_277] : memref<1048576xf32, #tpu.memory_space<vmem_shared>> -> memref<16384xf32, #tpu.memory_space<vmem_shared>>
    tpu.wait_dma2 semaphore(%arg24 : memref<!tpu.dma_semaphore, #tpu.memory_space<semaphore_mem>>) src(%arg6 : memref<16384xf32, #tpu.memory_space<vmem>>) dst(%dma_wait3A_279 : memref<16384xf32, #tpu.memory_space<vmem_shared>>)
    %add3A_280 = arith.constant 16384 : i32
    %add3A_281 = arith.addi %mul3A_211, %add3A_280 : i32
    %dma_wait3A_282 = tpu.memref_slice %arg5[%add3A_281] : memref<1048576xf32, #tpu.memory_space<vmem_shared>> -> memref<16384xf32, #tpu.memory_space<vmem_shared>>
    %dma_wait3A_283 = tpu.memref_slice %arg5[%add3A_281] : memref<1048576xf32, #tpu.memory_space<vmem_shared>> -> memref<16384xf32, #tpu.memory_space<vmem_shared>>
    tpu.wait_dma2 semaphore(%arg24 : memref<!tpu.dma_semaphore, #tpu.memory_space<semaphore_mem>>) src(%arg6 : memref<16384xf32, #tpu.memory_space<vmem>>) dst(%dma_wait3A_283 : memref<16384xf32, #tpu.memory_space<vmem_shared>>)
    %add3A_284 = arith.constant 32768 : i32
    %add3A_285 = arith.addi %mul3A_211, %add3A_284 : i32
    %dma_wait3A_286 = tpu.memref_slice %arg5[%add3A_285] : memref<1048576xf32, #tpu.memory_space<vmem_shared>> -> memref<16384xf32, #tpu.memory_space<vmem_shared>>
    %dma_wait3A_287 = tpu.memref_slice %arg5[%add3A_285] : memref<1048576xf32, #tpu.memory_space<vmem_shared>> -> memref<16384xf32, #tpu.memory_space<vmem_shared>>
    tpu.wait_dma2 semaphore(%arg24 : memref<!tpu.dma_semaphore, #tpu.memory_space<semaphore_mem>>) src(%arg6 : memref<16384xf32, #tpu.memory_space<vmem>>) dst(%dma_wait3A_287 : memref<16384xf32, #tpu.memory_space<vmem_shared>>)
    %add3A_288 = arith.constant 49152 : i32
    %add3A_289 = arith.addi %mul3A_211, %add3A_288 : i32
    %dma_wait3A_290 = tpu.memref_slice %arg5[%add3A_289] : memref<1048576xf32, #tpu.memory_space<vmem_shared>> -> memref<16384xf32, #tpu.memory_space<vmem_shared>>
    %dma_wait3A_291 = tpu.memref_slice %arg5[%add3A_289] : memref<1048576xf32, #tpu.memory_space<vmem_shared>> -> memref<16384xf32, #tpu.memory_space<vmem_shared>>
    tpu.wait_dma2 semaphore(%arg24 : memref<!tpu.dma_semaphore, #tpu.memory_space<semaphore_mem>>) src(%arg6 : memref<16384xf32, #tpu.memory_space<vmem>>) dst(%dma_wait3A_291 : memref<16384xf32, #tpu.memory_space<vmem_shared>>)
    %barrier3A_292 = arith.constant 0 : index
    tpu.barrier barrier_id(%barrier3A_292)
    %dma_start3A_293 = arith.constant 0 : i32
    %dma_start3A_294 = tpu.memref_slice %arg5[%dma_start3A_293] : memref<1048576xf32, #tpu.memory_space<vmem_shared>> -> memref<1048576xf32, #tpu.memory_space<vmem_shared>>
    tpu.enqueue_indirect_dma source(%arg16 : memref<1024xf32, #tpu.memory_space<vmem>>) target(%dma_start3A_294 : memref<1048576xf32, #tpu.memory_space<vmem_shared>>) offsets(%arg8 : memref<1024xi32, #tpu.memory_space<vmem>>) semaphore(%arg24 : memref<!tpu.dma_semaphore, #tpu.memory_space<semaphore_mem>>)
    %dma_wait3A_295 = arith.constant 0 : i32
    %dma_wait3A_296 = tpu.memref_slice %arg5[%dma_wait3A_295] : memref<1048576xf32, #tpu.memory_space<vmem_shared>> -> memref<1048576xf32, #tpu.memory_space<vmem_shared>>
    tpu.wait_indirect_dma semaphore(%arg24 : memref<!tpu.dma_semaphore, #tpu.memory_space<semaphore_mem>>) src(%arg16 : memref<1024xf32, #tpu.memory_space<vmem>>) dst(%dma_wait3A_296 : memref<1048576xf32, #tpu.memory_space<vmem_shared>>)
    %barrier3A_297 = arith.constant 0 : index
    tpu.barrier barrier_id(%barrier3A_297)
    %mul3A_298 = arith.constant 8 : i32
    %mul3A_299 = arith.muli %arg0, %mul3A_298 : i32
    %add3A_300 = arith.constant 1 : i32
    %add3A_301 = arith.addi %mul3A_299, %add3A_300 : i32
    %mul3A_302 = arith.constant 1048576 : i32
    %mul3A_303 = arith.muli %add3A_301, %mul3A_302 : i32
    %add3A_304 = arith.addi %mul3A_303, %mul3A_211 : i32
    %dma_start3A_305 = tpu.memref_slice %arg4[%add3A_304] : memref<16777216xf32, #tpu.memory_space<hbm>> -> memref<65536xf32, #tpu.memory_space<hbm>>
    %dma_start3A_306 = tpu.memref_slice %arg5[%mul3A_211] : memref<1048576xf32, #tpu.memory_space<vmem_shared>> -> memref<65536xf32, #tpu.memory_space<vmem_shared>>
    tpu.enqueue_dma source(%dma_start3A_306 : memref<65536xf32, #tpu.memory_space<vmem_shared>>) target(%dma_start3A_305 : memref<65536xf32, #tpu.memory_space<hbm>>) target_semaphore(%arg25 : memref<!tpu.dma_semaphore, #tpu.memory_space<semaphore_mem>>)
    %dma_wait3A_307 = tpu.memref_slice %arg4[%add3A_304] : memref<16777216xf32, #tpu.memory_space<hbm>> -> memref<65536xf32, #tpu.memory_space<hbm>>
    %dma_wait3A_308 = tpu.memref_slice %arg5[%mul3A_211] : memref<1048576xf32, #tpu.memory_space<vmem_shared>> -> memref<65536xf32, #tpu.memory_space<vmem_shared>>
    tpu.wait_dma2 semaphore(%arg25 : memref<!tpu.dma_semaphore, #tpu.memory_space<semaphore_mem>>) src(%dma_wait3A_308 : memref<65536xf32, #tpu.memory_space<vmem_shared>>) dst(%dma_wait3A_307 : memref<65536xf32, #tpu.memory_space<hbm>>)
    %add3A_309 = arith.constant 0 : i32
    %add3A_310 = arith.addi %mul3A_211, %add3A_309 : i32
    %dma_start3A_311 = tpu.memref_slice %arg5[%add3A_310] : memref<1048576xf32, #tpu.memory_space<vmem_shared>> -> memref<16384xf32, #tpu.memory_space<vmem_shared>>
    %dma_start3A_312 = tpu.memref_slice %arg5[%add3A_310] : memref<1048576xf32, #tpu.memory_space<vmem_shared>> -> memref<16384xf32, #tpu.memory_space<vmem_shared>>
    tpu.enqueue_dma source(%arg6 : memref<16384xf32, #tpu.memory_space<vmem>>) target(%dma_start3A_312 : memref<16384xf32, #tpu.memory_space<vmem_shared>>) target_semaphore(%arg24 : memref<!tpu.dma_semaphore, #tpu.memory_space<semaphore_mem>>)
    %add3A_313 = arith.constant 16384 : i32
    %add3A_314 = arith.addi %mul3A_211, %add3A_313 : i32
    %dma_start3A_315 = tpu.memref_slice %arg5[%add3A_314] : memref<1048576xf32, #tpu.memory_space<vmem_shared>> -> memref<16384xf32, #tpu.memory_space<vmem_shared>>
    %dma_start3A_316 = tpu.memref_slice %arg5[%add3A_314] : memref<1048576xf32, #tpu.memory_space<vmem_shared>> -> memref<16384xf32, #tpu.memory_space<vmem_shared>>
    tpu.enqueue_dma source(%arg6 : memref<16384xf32, #tpu.memory_space<vmem>>) target(%dma_start3A_316 : memref<16384xf32, #tpu.memory_space<vmem_shared>>) target_semaphore(%arg24 : memref<!tpu.dma_semaphore, #tpu.memory_space<semaphore_mem>>)
    %add3A_317 = arith.constant 32768 : i32
    %add3A_318 = arith.addi %mul3A_211, %add3A_317 : i32
    %dma_start3A_319 = tpu.memref_slice %arg5[%add3A_318] : memref<1048576xf32, #tpu.memory_space<vmem_shared>> -> memref<16384xf32, #tpu.memory_space<vmem_shared>>
    %dma_start3A_320 = tpu.memref_slice %arg5[%add3A_318] : memref<1048576xf32, #tpu.memory_space<vmem_shared>> -> memref<16384xf32, #tpu.memory_space<vmem_shared>>
    tpu.enqueue_dma source(%arg6 : memref<16384xf32, #tpu.memory_space<vmem>>) target(%dma_start3A_320 : memref<16384xf32, #tpu.memory_space<vmem_shared>>) target_semaphore(%arg24 : memref<!tpu.dma_semaphore, #tpu.memory_space<semaphore_mem>>)
    %add3A_321 = arith.constant 49152 : i32
    %add3A_322 = arith.addi %mul3A_211, %add3A_321 : i32
    %dma_start3A_323 = tpu.memref_slice %arg5[%add3A_322] : memref<1048576xf32, #tpu.memory_space<vmem_shared>> -> memref<16384xf32, #tpu.memory_space<vmem_shared>>
    %dma_start3A_324 = tpu.memref_slice %arg5[%add3A_322] : memref<1048576xf32, #tpu.memory_space<vmem_shared>> -> memref<16384xf32, #tpu.memory_space<vmem_shared>>
    tpu.enqueue_dma source(%arg6 : memref<16384xf32, #tpu.memory_space<vmem>>) target(%dma_start3A_324 : memref<16384xf32, #tpu.memory_space<vmem_shared>>) target_semaphore(%arg24 : memref<!tpu.dma_semaphore, #tpu.memory_space<semaphore_mem>>)
    %add3A_325 = arith.constant 0 : i32
    %add3A_326 = arith.addi %mul3A_211, %add3A_325 : i32
    %dma_wait3A_327 = tpu.memref_slice %arg5[%add3A_326] : memref<1048576xf32, #tpu.memory_space<vmem_shared>> -> memref<16384xf32, #tpu.memory_space<vmem_shared>>
    %dma_wait3A_328 = tpu.memref_slice %arg5[%add3A_326] : memref<1048576xf32, #tpu.memory_space<vmem_shared>> -> memref<16384xf32, #tpu.memory_space<vmem_shared>>
    tpu.wait_dma2 semaphore(%arg24 : memref<!tpu.dma_semaphore, #tpu.memory_space<semaphore_mem>>) src(%arg6 : memref<16384xf32, #tpu.memory_space<vmem>>) dst(%dma_wait3A_328 : memref<16384xf32, #tpu.memory_space<vmem_shared>>)
    %add3A_329 = arith.constant 16384 : i32
    %add3A_330 = arith.addi %mul3A_211, %add3A_329 : i32
    %dma_wait3A_331 = tpu.memref_slice %arg5[%add3A_330] : memref<1048576xf32, #tpu.memory_space<vmem_shared>> -> memref<16384xf32, #tpu.memory_space<vmem_shared>>
    %dma_wait3A_332 = tpu.memref_slice %arg5[%add3A_330] : memref<1048576xf32, #tpu.memory_space<vmem_shared>> -> memref<16384xf32, #tpu.memory_space<vmem_shared>>
    tpu.wait_dma2 semaphore(%arg24 : memref<!tpu.dma_semaphore, #tpu.memory_space<semaphore_mem>>) src(%arg6 : memref<16384xf32, #tpu.memory_space<vmem>>) dst(%dma_wait3A_332 : memref<16384xf32, #tpu.memory_space<vmem_shared>>)
    %add3A_333 = arith.constant 32768 : i32
    %add3A_334 = arith.addi %mul3A_211, %add3A_333 : i32
    %dma_wait3A_335 = tpu.memref_slice %arg5[%add3A_334] : memref<1048576xf32, #tpu.memory_space<vmem_shared>> -> memref<16384xf32, #tpu.memory_space<vmem_shared>>
    %dma_wait3A_336 = tpu.memref_slice %arg5[%add3A_334] : memref<1048576xf32, #tpu.memory_space<vmem_shared>> -> memref<16384xf32, #tpu.memory_space<vmem_shared>>
    tpu.wait_dma2 semaphore(%arg24 : memref<!tpu.dma_semaphore, #tpu.memory_space<semaphore_mem>>) src(%arg6 : memref<16384xf32, #tpu.memory_space<vmem>>) dst(%dma_wait3A_336 : memref<16384xf32, #tpu.memory_space<vmem_shared>>)
    %add3A_337 = arith.constant 49152 : i32
    %add3A_338 = arith.addi %mul3A_211, %add3A_337 : i32
    %dma_wait3A_339 = tpu.memref_slice %arg5[%add3A_338] : memref<1048576xf32, #tpu.memory_space<vmem_shared>> -> memref<16384xf32, #tpu.memory_space<vmem_shared>>
    %dma_wait3A_340 = tpu.memref_slice %arg5[%add3A_338] : memref<1048576xf32, #tpu.memory_space<vmem_shared>> -> memref<16384xf32, #tpu.memory_space<vmem_shared>>
    tpu.wait_dma2 semaphore(%arg24 : memref<!tpu.dma_semaphore, #tpu.memory_space<semaphore_mem>>) src(%arg6 : memref<16384xf32, #tpu.memory_space<vmem>>) dst(%dma_wait3A_340 : memref<16384xf32, #tpu.memory_space<vmem_shared>>)
    %barrier3A_341 = arith.constant 0 : index
    tpu.barrier barrier_id(%barrier3A_341)
    %dma_start3A_342 = arith.constant 0 : i32
    %dma_start3A_343 = tpu.memref_slice %arg5[%dma_start3A_342] : memref<1048576xf32, #tpu.memory_space<vmem_shared>> -> memref<1048576xf32, #tpu.memory_space<vmem_shared>>
    tpu.enqueue_indirect_dma source(%arg17 : memref<1024xf32, #tpu.memory_space<vmem>>) target(%dma_start3A_343 : memref<1048576xf32, #tpu.memory_space<vmem_shared>>) offsets(%arg9 : memref<1024xi32, #tpu.memory_space<vmem>>) semaphore(%arg24 : memref<!tpu.dma_semaphore, #tpu.memory_space<semaphore_mem>>)
    %dma_wait3A_344 = arith.constant 0 : i32
    %dma_wait3A_345 = tpu.memref_slice %arg5[%dma_wait3A_344] : memref<1048576xf32, #tpu.memory_space<vmem_shared>> -> memref<1048576xf32, #tpu.memory_space<vmem_shared>>
    tpu.wait_indirect_dma semaphore(%arg24 : memref<!tpu.dma_semaphore, #tpu.memory_space<semaphore_mem>>) src(%arg17 : memref<1024xf32, #tpu.memory_space<vmem>>) dst(%dma_wait3A_345 : memref<1048576xf32, #tpu.memory_space<vmem_shared>>)
    %barrier3A_346 = arith.constant 0 : index
    tpu.barrier barrier_id(%barrier3A_346)
    %mul3A_347 = arith.constant 8 : i32
    %mul3A_348 = arith.muli %arg0, %mul3A_347 : i32
    %add3A_349 = arith.constant 2 : i32
    %add3A_350 = arith.addi %mul3A_348, %add3A_349 : i32
    %mul3A_351 = arith.constant 1048576 : i32
    %mul3A_352 = arith.muli %add3A_350, %mul3A_351 : i32
    %add3A_353 = arith.addi %mul3A_352, %mul3A_211 : i32
    %dma_start3A_354 = tpu.memref_slice %arg4[%add3A_353] : memref<16777216xf32, #tpu.memory_space<hbm>> -> memref<65536xf32, #tpu.memory_space<hbm>>
    %dma_start3A_355 = tpu.memref_slice %arg5[%mul3A_211] : memref<1048576xf32, #tpu.memory_space<vmem_shared>> -> memref<65536xf32, #tpu.memory_space<vmem_shared>>
    tpu.enqueue_dma source(%dma_start3A_355 : memref<65536xf32, #tpu.memory_space<vmem_shared>>) target(%dma_start3A_354 : memref<65536xf32, #tpu.memory_space<hbm>>) target_semaphore(%arg25 : memref<!tpu.dma_semaphore, #tpu.memory_space<semaphore_mem>>)
    %dma_wait3A_356 = tpu.memref_slice %arg4[%add3A_353] : memref<16777216xf32, #tpu.memory_space<hbm>> -> memref<65536xf32, #tpu.memory_space<hbm>>
    %dma_wait3A_357 = tpu.memref_slice %arg5[%mul3A_211] : memref<1048576xf32, #tpu.memory_space<vmem_shared>> -> memref<65536xf32, #tpu.memory_space<vmem_shared>>
    tpu.wait_dma2 semaphore(%arg25 : memref<!tpu.dma_semaphore, #tpu.memory_space<semaphore_mem>>) src(%dma_wait3A_357 : memref<65536xf32, #tpu.memory_space<vmem_shared>>) dst(%dma_wait3A_356 : memref<65536xf32, #tpu.memory_space<hbm>>)
    %add3A_358 = arith.constant 0 : i32
    %add3A_359 = arith.addi %mul3A_211, %add3A_358 : i32
    %dma_start3A_360 = tpu.memref_slice %arg5[%add3A_359] : memref<1048576xf32, #tpu.memory_space<vmem_shared>> -> memref<16384xf32, #tpu.memory_space<vmem_shared>>
    %dma_start3A_361 = tpu.memref_slice %arg5[%add3A_359] : memref<1048576xf32, #tpu.memory_space<vmem_shared>> -> memref<16384xf32, #tpu.memory_space<vmem_shared>>
    tpu.enqueue_dma source(%arg6 : memref<16384xf32, #tpu.memory_space<vmem>>) target(%dma_start3A_361 : memref<16384xf32, #tpu.memory_space<vmem_shared>>) target_semaphore(%arg24 : memref<!tpu.dma_semaphore, #tpu.memory_space<semaphore_mem>>)
    %add3A_362 = arith.constant 16384 : i32
    %add3A_363 = arith.addi %mul3A_211, %add3A_362 : i32
    %dma_start3A_364 = tpu.memref_slice %arg5[%add3A_363] : memref<1048576xf32, #tpu.memory_space<vmem_shared>> -> memref<16384xf32, #tpu.memory_space<vmem_shared>>
    %dma_start3A_365 = tpu.memref_slice %arg5[%add3A_363] : memref<1048576xf32, #tpu.memory_space<vmem_shared>> -> memref<16384xf32, #tpu.memory_space<vmem_shared>>
    tpu.enqueue_dma source(%arg6 : memref<16384xf32, #tpu.memory_space<vmem>>) target(%dma_start3A_365 : memref<16384xf32, #tpu.memory_space<vmem_shared>>) target_semaphore(%arg24 : memref<!tpu.dma_semaphore, #tpu.memory_space<semaphore_mem>>)
    %add3A_366 = arith.constant 32768 : i32
    %add3A_367 = arith.addi %mul3A_211, %add3A_366 : i32
    %dma_start3A_368 = tpu.memref_slice %arg5[%add3A_367] : memref<1048576xf32, #tpu.memory_space<vmem_shared>> -> memref<16384xf32, #tpu.memory_space<vmem_shared>>
    %dma_start3A_369 = tpu.memref_slice %arg5[%add3A_367] : memref<1048576xf32, #tpu.memory_space<vmem_shared>> -> memref<16384xf32, #tpu.memory_space<vmem_shared>>
    tpu.enqueue_dma source(%arg6 : memref<16384xf32, #tpu.memory_space<vmem>>) target(%dma_start3A_369 : memref<16384xf32, #tpu.memory_space<vmem_shared>>) target_semaphore(%arg24 : memref<!tpu.dma_semaphore, #tpu.memory_space<semaphore_mem>>)
    %add3A_370 = arith.constant 49152 : i32
    %add3A_371 = arith.addi %mul3A_211, %add3A_370 : i32
    %dma_start3A_372 = tpu.memref_slice %arg5[%add3A_371] : memref<1048576xf32, #tpu.memory_space<vmem_shared>> -> memref<16384xf32, #tpu.memory_space<vmem_shared>>
    %dma_start3A_373 = tpu.memref_slice %arg5[%add3A_371] : memref<1048576xf32, #tpu.memory_space<vmem_shared>> -> memref<16384xf32, #tpu.memory_space<vmem_shared>>
    tpu.enqueue_dma source(%arg6 : memref<16384xf32, #tpu.memory_space<vmem>>) target(%dma_start3A_373 : memref<16384xf32, #tpu.memory_space<vmem_shared>>) target_semaphore(%arg24 : memref<!tpu.dma_semaphore, #tpu.memory_space<semaphore_mem>>)
    %add3A_374 = arith.constant 0 : i32
    %add3A_375 = arith.addi %mul3A_211, %add3A_374 : i32
    %dma_wait3A_376 = tpu.memref_slice %arg5[%add3A_375] : memref<1048576xf32, #tpu.memory_space<vmem_shared>> -> memref<16384xf32, #tpu.memory_space<vmem_shared>>
    %dma_wait3A_377 = tpu.memref_slice %arg5[%add3A_375] : memref<1048576xf32, #tpu.memory_space<vmem_shared>> -> memref<16384xf32, #tpu.memory_space<vmem_shared>>
    tpu.wait_dma2 semaphore(%arg24 : memref<!tpu.dma_semaphore, #tpu.memory_space<semaphore_mem>>) src(%arg6 : memref<16384xf32, #tpu.memory_space<vmem>>) dst(%dma_wait3A_377 : memref<16384xf32, #tpu.memory_space<vmem_shared>>)
    %add3A_378 = arith.constant 16384 : i32
    %add3A_379 = arith.addi %mul3A_211, %add3A_378 : i32
    %dma_wait3A_380 = tpu.memref_slice %arg5[%add3A_379] : memref<1048576xf32, #tpu.memory_space<vmem_shared>> -> memref<16384xf32, #tpu.memory_space<vmem_shared>>
    %dma_wait3A_381 = tpu.memref_slice %arg5[%add3A_379] : memref<1048576xf32, #tpu.memory_space<vmem_shared>> -> memref<16384xf32, #tpu.memory_space<vmem_shared>>
    tpu.wait_dma2 semaphore(%arg24 : memref<!tpu.dma_semaphore, #tpu.memory_space<semaphore_mem>>) src(%arg6 : memref<16384xf32, #tpu.memory_space<vmem>>) dst(%dma_wait3A_381 : memref<16384xf32, #tpu.memory_space<vmem_shared>>)
    %add3A_382 = arith.constant 32768 : i32
    %add3A_383 = arith.addi %mul3A_211, %add3A_382 : i32
    %dma_wait3A_384 = tpu.memref_slice %arg5[%add3A_383] : memref<1048576xf32, #tpu.memory_space<vmem_shared>> -> memref<16384xf32, #tpu.memory_space<vmem_shared>>
    %dma_wait3A_385 = tpu.memref_slice %arg5[%add3A_383] : memref<1048576xf32, #tpu.memory_space<vmem_shared>> -> memref<16384xf32, #tpu.memory_space<vmem_shared>>
    tpu.wait_dma2 semaphore(%arg24 : memref<!tpu.dma_semaphore, #tpu.memory_space<semaphore_mem>>) src(%arg6 : memref<16384xf32, #tpu.memory_space<vmem>>) dst(%dma_wait3A_385 : memref<16384xf32, #tpu.memory_space<vmem_shared>>)
    %add3A_386 = arith.constant 49152 : i32
    %add3A_387 = arith.addi %mul3A_211, %add3A_386 : i32
    %dma_wait3A_388 = tpu.memref_slice %arg5[%add3A_387] : memref<1048576xf32, #tpu.memory_space<vmem_shared>> -> memref<16384xf32, #tpu.memory_space<vmem_shared>>
    %dma_wait3A_389 = tpu.memref_slice %arg5[%add3A_387] : memref<1048576xf32, #tpu.memory_space<vmem_shared>> -> memref<16384xf32, #tpu.memory_space<vmem_shared>>
    tpu.wait_dma2 semaphore(%arg24 : memref<!tpu.dma_semaphore, #tpu.memory_space<semaphore_mem>>) src(%arg6 : memref<16384xf32, #tpu.memory_space<vmem>>) dst(%dma_wait3A_389 : memref<16384xf32, #tpu.memory_space<vmem_shared>>)
    %barrier3A_390 = arith.constant 0 : index
    tpu.barrier barrier_id(%barrier3A_390)
    %dma_start3A_391 = arith.constant 0 : i32
    %dma_start3A_392 = tpu.memref_slice %arg5[%dma_start3A_391] : memref<1048576xf32, #tpu.memory_space<vmem_shared>> -> memref<1048576xf32, #tpu.memory_space<vmem_shared>>
    tpu.enqueue_indirect_dma source(%arg18 : memref<1024xf32, #tpu.memory_space<vmem>>) target(%dma_start3A_392 : memref<1048576xf32, #tpu.memory_space<vmem_shared>>) offsets(%arg10 : memref<1024xi32, #tpu.memory_space<vmem>>) semaphore(%arg24 : memref<!tpu.dma_semaphore, #tpu.memory_space<semaphore_mem>>)
    %dma_wait3A_393 = arith.constant 0 : i32
    %dma_wait3A_394 = tpu.memref_slice %arg5[%dma_wait3A_393] : memref<1048576xf32, #tpu.memory_space<vmem_shared>> -> memref<1048576xf32, #tpu.memory_space<vmem_shared>>
    tpu.wait_indirect_dma semaphore(%arg24 : memref<!tpu.dma_semaphore, #tpu.memory_space<semaphore_mem>>) src(%arg18 : memref<1024xf32, #tpu.memory_space<vmem>>) dst(%dma_wait3A_394 : memref<1048576xf32, #tpu.memory_space<vmem_shared>>)
    %barrier3A_395 = arith.constant 0 : index
    tpu.barrier barrier_id(%barrier3A_395)
    %mul3A_396 = arith.constant 8 : i32
    %mul3A_397 = arith.muli %arg0, %mul3A_396 : i32
    %add3A_398 = arith.constant 3 : i32
    %add3A_399 = arith.addi %mul3A_397, %add3A_398 : i32
    %mul3A_400 = arith.constant 1048576 : i32
    %mul3A_401 = arith.muli %add3A_399, %mul3A_400 : i32
    %add3A_402 = arith.addi %mul3A_401, %mul3A_211 : i32
    %dma_start3A_403 = tpu.memref_slice %arg4[%add3A_402] : memref<16777216xf32, #tpu.memory_space<hbm>> -> memref<65536xf32, #tpu.memory_space<hbm>>
    %dma_start3A_404 = tpu.memref_slice %arg5[%mul3A_211] : memref<1048576xf32, #tpu.memory_space<vmem_shared>> -> memref<65536xf32, #tpu.memory_space<vmem_shared>>
    tpu.enqueue_dma source(%dma_start3A_404 : memref<65536xf32, #tpu.memory_space<vmem_shared>>) target(%dma_start3A_403 : memref<65536xf32, #tpu.memory_space<hbm>>) target_semaphore(%arg25 : memref<!tpu.dma_semaphore, #tpu.memory_space<semaphore_mem>>)
    %dma_wait3A_405 = tpu.memref_slice %arg4[%add3A_402] : memref<16777216xf32, #tpu.memory_space<hbm>> -> memref<65536xf32, #tpu.memory_space<hbm>>
    %dma_wait3A_406 = tpu.memref_slice %arg5[%mul3A_211] : memref<1048576xf32, #tpu.memory_space<vmem_shared>> -> memref<65536xf32, #tpu.memory_space<vmem_shared>>
    tpu.wait_dma2 semaphore(%arg25 : memref<!tpu.dma_semaphore, #tpu.memory_space<semaphore_mem>>) src(%dma_wait3A_406 : memref<65536xf32, #tpu.memory_space<vmem_shared>>) dst(%dma_wait3A_405 : memref<65536xf32, #tpu.memory_space<hbm>>)
    %add3A_407 = arith.constant 0 : i32
    %add3A_408 = arith.addi %mul3A_211, %add3A_407 : i32
    %dma_start3A_409 = tpu.memref_slice %arg5[%add3A_408] : memref<1048576xf32, #tpu.memory_space<vmem_shared>> -> memref<16384xf32, #tpu.memory_space<vmem_shared>>
    %dma_start3A_410 = tpu.memref_slice %arg5[%add3A_408] : memref<1048576xf32, #tpu.memory_space<vmem_shared>> -> memref<16384xf32, #tpu.memory_space<vmem_shared>>
    tpu.enqueue_dma source(%arg6 : memref<16384xf32, #tpu.memory_space<vmem>>) target(%dma_start3A_410 : memref<16384xf32, #tpu.memory_space<vmem_shared>>) target_semaphore(%arg24 : memref<!tpu.dma_semaphore, #tpu.memory_space<semaphore_mem>>)
    %add3A_411 = arith.constant 16384 : i32
    %add3A_412 = arith.addi %mul3A_211, %add3A_411 : i32
    %dma_start3A_413 = tpu.memref_slice %arg5[%add3A_412] : memref<1048576xf32, #tpu.memory_space<vmem_shared>> -> memref<16384xf32, #tpu.memory_space<vmem_shared>>
    %dma_start3A_414 = tpu.memref_slice %arg5[%add3A_412] : memref<1048576xf32, #tpu.memory_space<vmem_shared>> -> memref<16384xf32, #tpu.memory_space<vmem_shared>>
    tpu.enqueue_dma source(%arg6 : memref<16384xf32, #tpu.memory_space<vmem>>) target(%dma_start3A_414 : memref<16384xf32, #tpu.memory_space<vmem_shared>>) target_semaphore(%arg24 : memref<!tpu.dma_semaphore, #tpu.memory_space<semaphore_mem>>)
    %add3A_415 = arith.constant 32768 : i32
    %add3A_416 = arith.addi %mul3A_211, %add3A_415 : i32
    %dma_start3A_417 = tpu.memref_slice %arg5[%add3A_416] : memref<1048576xf32, #tpu.memory_space<vmem_shared>> -> memref<16384xf32, #tpu.memory_space<vmem_shared>>
    %dma_start3A_418 = tpu.memref_slice %arg5[%add3A_416] : memref<1048576xf32, #tpu.memory_space<vmem_shared>> -> memref<16384xf32, #tpu.memory_space<vmem_shared>>
    tpu.enqueue_dma source(%arg6 : memref<16384xf32, #tpu.memory_space<vmem>>) target(%dma_start3A_418 : memref<16384xf32, #tpu.memory_space<vmem_shared>>) target_semaphore(%arg24 : memref<!tpu.dma_semaphore, #tpu.memory_space<semaphore_mem>>)
    %add3A_419 = arith.constant 49152 : i32
    %add3A_420 = arith.addi %mul3A_211, %add3A_419 : i32
    %dma_start3A_421 = tpu.memref_slice %arg5[%add3A_420] : memref<1048576xf32, #tpu.memory_space<vmem_shared>> -> memref<16384xf32, #tpu.memory_space<vmem_shared>>
    %dma_start3A_422 = tpu.memref_slice %arg5[%add3A_420] : memref<1048576xf32, #tpu.memory_space<vmem_shared>> -> memref<16384xf32, #tpu.memory_space<vmem_shared>>
    tpu.enqueue_dma source(%arg6 : memref<16384xf32, #tpu.memory_space<vmem>>) target(%dma_start3A_422 : memref<16384xf32, #tpu.memory_space<vmem_shared>>) target_semaphore(%arg24 : memref<!tpu.dma_semaphore, #tpu.memory_space<semaphore_mem>>)
    %add3A_423 = arith.constant 0 : i32
    %add3A_424 = arith.addi %mul3A_211, %add3A_423 : i32
    %dma_wait3A_425 = tpu.memref_slice %arg5[%add3A_424] : memref<1048576xf32, #tpu.memory_space<vmem_shared>> -> memref<16384xf32, #tpu.memory_space<vmem_shared>>
    %dma_wait3A_426 = tpu.memref_slice %arg5[%add3A_424] : memref<1048576xf32, #tpu.memory_space<vmem_shared>> -> memref<16384xf32, #tpu.memory_space<vmem_shared>>
    tpu.wait_dma2 semaphore(%arg24 : memref<!tpu.dma_semaphore, #tpu.memory_space<semaphore_mem>>) src(%arg6 : memref<16384xf32, #tpu.memory_space<vmem>>) dst(%dma_wait3A_426 : memref<16384xf32, #tpu.memory_space<vmem_shared>>)
    %add3A_427 = arith.constant 16384 : i32
    %add3A_428 = arith.addi %mul3A_211, %add3A_427 : i32
    %dma_wait3A_429 = tpu.memref_slice %arg5[%add3A_428] : memref<1048576xf32, #tpu.memory_space<vmem_shared>> -> memref<16384xf32, #tpu.memory_space<vmem_shared>>
    %dma_wait3A_430 = tpu.memref_slice %arg5[%add3A_428] : memref<1048576xf32, #tpu.memory_space<vmem_shared>> -> memref<16384xf32, #tpu.memory_space<vmem_shared>>
    tpu.wait_dma2 semaphore(%arg24 : memref<!tpu.dma_semaphore, #tpu.memory_space<semaphore_mem>>) src(%arg6 : memref<16384xf32, #tpu.memory_space<vmem>>) dst(%dma_wait3A_430 : memref<16384xf32, #tpu.memory_space<vmem_shared>>)
    %add3A_431 = arith.constant 32768 : i32
    %add3A_432 = arith.addi %mul3A_211, %add3A_431 : i32
    %dma_wait3A_433 = tpu.memref_slice %arg5[%add3A_432] : memref<1048576xf32, #tpu.memory_space<vmem_shared>> -> memref<16384xf32, #tpu.memory_space<vmem_shared>>
    %dma_wait3A_434 = tpu.memref_slice %arg5[%add3A_432] : memref<1048576xf32, #tpu.memory_space<vmem_shared>> -> memref<16384xf32, #tpu.memory_space<vmem_shared>>
    tpu.wait_dma2 semaphore(%arg24 : memref<!tpu.dma_semaphore, #tpu.memory_space<semaphore_mem>>) src(%arg6 : memref<16384xf32, #tpu.memory_space<vmem>>) dst(%dma_wait3A_434 : memref<16384xf32, #tpu.memory_space<vmem_shared>>)
    %add3A_435 = arith.constant 49152 : i32
    %add3A_436 = arith.addi %mul3A_211, %add3A_435 : i32
    %dma_wait3A_437 = tpu.memref_slice %arg5[%add3A_436] : memref<1048576xf32, #tpu.memory_space<vmem_shared>> -> memref<16384xf32, #tpu.memory_space<vmem_shared>>
    %dma_wait3A_438 = tpu.memref_slice %arg5[%add3A_436] : memref<1048576xf32, #tpu.memory_space<vmem_shared>> -> memref<16384xf32, #tpu.memory_space<vmem_shared>>
    tpu.wait_dma2 semaphore(%arg24 : memref<!tpu.dma_semaphore, #tpu.memory_space<semaphore_mem>>) src(%arg6 : memref<16384xf32, #tpu.memory_space<vmem>>) dst(%dma_wait3A_438 : memref<16384xf32, #tpu.memory_space<vmem_shared>>)
    %barrier3A_439 = arith.constant 0 : index
    tpu.barrier barrier_id(%barrier3A_439)
    %dma_start3A_440 = arith.constant 0 : i32
    %dma_start3A_441 = tpu.memref_slice %arg5[%dma_start3A_440] : memref<1048576xf32, #tpu.memory_space<vmem_shared>> -> memref<1048576xf32, #tpu.memory_space<vmem_shared>>
    tpu.enqueue_indirect_dma source(%arg19 : memref<1024xf32, #tpu.memory_space<vmem>>) target(%dma_start3A_441 : memref<1048576xf32, #tpu.memory_space<vmem_shared>>) offsets(%arg11 : memref<1024xi32, #tpu.memory_space<vmem>>) semaphore(%arg24 : memref<!tpu.dma_semaphore, #tpu.memory_space<semaphore_mem>>)
    %dma_wait3A_442 = arith.constant 0 : i32
    %dma_wait3A_443 = tpu.memref_slice %arg5[%dma_wait3A_442] : memref<1048576xf32, #tpu.memory_space<vmem_shared>> -> memref<1048576xf32, #tpu.memory_space<vmem_shared>>
    tpu.wait_indirect_dma semaphore(%arg24 : memref<!tpu.dma_semaphore, #tpu.memory_space<semaphore_mem>>) src(%arg19 : memref<1024xf32, #tpu.memory_space<vmem>>) dst(%dma_wait3A_443 : memref<1048576xf32, #tpu.memory_space<vmem_shared>>)
    %barrier3A_444 = arith.constant 0 : index
    tpu.barrier barrier_id(%barrier3A_444)
    %mul3A_445 = arith.constant 8 : i32
    %mul3A_446 = arith.muli %arg0, %mul3A_445 : i32
    %add3A_447 = arith.constant 4 : i32
    %add3A_448 = arith.addi %mul3A_446, %add3A_447 : i32
    %mul3A_449 = arith.constant 1048576 : i32
    %mul3A_450 = arith.muli %add3A_448, %mul3A_449 : i32
    %add3A_451 = arith.addi %mul3A_450, %mul3A_211 : i32
    %dma_start3A_452 = tpu.memref_slice %arg4[%add3A_451] : memref<16777216xf32, #tpu.memory_space<hbm>> -> memref<65536xf32, #tpu.memory_space<hbm>>
    %dma_start3A_453 = tpu.memref_slice %arg5[%mul3A_211] : memref<1048576xf32, #tpu.memory_space<vmem_shared>> -> memref<65536xf32, #tpu.memory_space<vmem_shared>>
    tpu.enqueue_dma source(%dma_start3A_453 : memref<65536xf32, #tpu.memory_space<vmem_shared>>) target(%dma_start3A_452 : memref<65536xf32, #tpu.memory_space<hbm>>) target_semaphore(%arg25 : memref<!tpu.dma_semaphore, #tpu.memory_space<semaphore_mem>>)
    %dma_wait3A_454 = tpu.memref_slice %arg4[%add3A_451] : memref<16777216xf32, #tpu.memory_space<hbm>> -> memref<65536xf32, #tpu.memory_space<hbm>>
    %dma_wait3A_455 = tpu.memref_slice %arg5[%mul3A_211] : memref<1048576xf32, #tpu.memory_space<vmem_shared>> -> memref<65536xf32, #tpu.memory_space<vmem_shared>>
    tpu.wait_dma2 semaphore(%arg25 : memref<!tpu.dma_semaphore, #tpu.memory_space<semaphore_mem>>) src(%dma_wait3A_455 : memref<65536xf32, #tpu.memory_space<vmem_shared>>) dst(%dma_wait3A_454 : memref<65536xf32, #tpu.memory_space<hbm>>)
    %add3A_456 = arith.constant 0 : i32
    %add3A_457 = arith.addi %mul3A_211, %add3A_456 : i32
    %dma_start3A_458 = tpu.memref_slice %arg5[%add3A_457] : memref<1048576xf32, #tpu.memory_space<vmem_shared>> -> memref<16384xf32, #tpu.memory_space<vmem_shared>>
    %dma_start3A_459 = tpu.memref_slice %arg5[%add3A_457] : memref<1048576xf32, #tpu.memory_space<vmem_shared>> -> memref<16384xf32, #tpu.memory_space<vmem_shared>>
    tpu.enqueue_dma source(%arg6 : memref<16384xf32, #tpu.memory_space<vmem>>) target(%dma_start3A_459 : memref<16384xf32, #tpu.memory_space<vmem_shared>>) target_semaphore(%arg24 : memref<!tpu.dma_semaphore, #tpu.memory_space<semaphore_mem>>)
    %add3A_460 = arith.constant 16384 : i32
    %add3A_461 = arith.addi %mul3A_211, %add3A_460 : i32
    %dma_start3A_462 = tpu.memref_slice %arg5[%add3A_461] : memref<1048576xf32, #tpu.memory_space<vmem_shared>> -> memref<16384xf32, #tpu.memory_space<vmem_shared>>
    %dma_start3A_463 = tpu.memref_slice %arg5[%add3A_461] : memref<1048576xf32, #tpu.memory_space<vmem_shared>> -> memref<16384xf32, #tpu.memory_space<vmem_shared>>
    tpu.enqueue_dma source(%arg6 : memref<16384xf32, #tpu.memory_space<vmem>>) target(%dma_start3A_463 : memref<16384xf32, #tpu.memory_space<vmem_shared>>) target_semaphore(%arg24 : memref<!tpu.dma_semaphore, #tpu.memory_space<semaphore_mem>>)
    %add3A_464 = arith.constant 32768 : i32
    %add3A_465 = arith.addi %mul3A_211, %add3A_464 : i32
    %dma_start3A_466 = tpu.memref_slice %arg5[%add3A_465] : memref<1048576xf32, #tpu.memory_space<vmem_shared>> -> memref<16384xf32, #tpu.memory_space<vmem_shared>>
    %dma_start3A_467 = tpu.memref_slice %arg5[%add3A_465] : memref<1048576xf32, #tpu.memory_space<vmem_shared>> -> memref<16384xf32, #tpu.memory_space<vmem_shared>>
    tpu.enqueue_dma source(%arg6 : memref<16384xf32, #tpu.memory_space<vmem>>) target(%dma_start3A_467 : memref<16384xf32, #tpu.memory_space<vmem_shared>>) target_semaphore(%arg24 : memref<!tpu.dma_semaphore, #tpu.memory_space<semaphore_mem>>)
    %add3A_468 = arith.constant 49152 : i32
    %add3A_469 = arith.addi %mul3A_211, %add3A_468 : i32
    %dma_start3A_470 = tpu.memref_slice %arg5[%add3A_469] : memref<1048576xf32, #tpu.memory_space<vmem_shared>> -> memref<16384xf32, #tpu.memory_space<vmem_shared>>
    %dma_start3A_471 = tpu.memref_slice %arg5[%add3A_469] : memref<1048576xf32, #tpu.memory_space<vmem_shared>> -> memref<16384xf32, #tpu.memory_space<vmem_shared>>
    tpu.enqueue_dma source(%arg6 : memref<16384xf32, #tpu.memory_space<vmem>>) target(%dma_start3A_471 : memref<16384xf32, #tpu.memory_space<vmem_shared>>) target_semaphore(%arg24 : memref<!tpu.dma_semaphore, #tpu.memory_space<semaphore_mem>>)
    %add3A_472 = arith.constant 0 : i32
    %add3A_473 = arith.addi %mul3A_211, %add3A_472 : i32
    %dma_wait3A_474 = tpu.memref_slice %arg5[%add3A_473] : memref<1048576xf32, #tpu.memory_space<vmem_shared>> -> memref<16384xf32, #tpu.memory_space<vmem_shared>>
    %dma_wait3A_475 = tpu.memref_slice %arg5[%add3A_473] : memref<1048576xf32, #tpu.memory_space<vmem_shared>> -> memref<16384xf32, #tpu.memory_space<vmem_shared>>
    tpu.wait_dma2 semaphore(%arg24 : memref<!tpu.dma_semaphore, #tpu.memory_space<semaphore_mem>>) src(%arg6 : memref<16384xf32, #tpu.memory_space<vmem>>) dst(%dma_wait3A_475 : memref<16384xf32, #tpu.memory_space<vmem_shared>>)
    %add3A_476 = arith.constant 16384 : i32
    %add3A_477 = arith.addi %mul3A_211, %add3A_476 : i32
    %dma_wait3A_478 = tpu.memref_slice %arg5[%add3A_477] : memref<1048576xf32, #tpu.memory_space<vmem_shared>> -> memref<16384xf32, #tpu.memory_space<vmem_shared>>
    %dma_wait3A_479 = tpu.memref_slice %arg5[%add3A_477] : memref<1048576xf32, #tpu.memory_space<vmem_shared>> -> memref<16384xf32, #tpu.memory_space<vmem_shared>>
    tpu.wait_dma2 semaphore(%arg24 : memref<!tpu.dma_semaphore, #tpu.memory_space<semaphore_mem>>) src(%arg6 : memref<16384xf32, #tpu.memory_space<vmem>>) dst(%dma_wait3A_479 : memref<16384xf32, #tpu.memory_space<vmem_shared>>)
    %add3A_480 = arith.constant 32768 : i32
    %add3A_481 = arith.addi %mul3A_211, %add3A_480 : i32
    %dma_wait3A_482 = tpu.memref_slice %arg5[%add3A_481] : memref<1048576xf32, #tpu.memory_space<vmem_shared>> -> memref<16384xf32, #tpu.memory_space<vmem_shared>>
    %dma_wait3A_483 = tpu.memref_slice %arg5[%add3A_481] : memref<1048576xf32, #tpu.memory_space<vmem_shared>> -> memref<16384xf32, #tpu.memory_space<vmem_shared>>
    tpu.wait_dma2 semaphore(%arg24 : memref<!tpu.dma_semaphore, #tpu.memory_space<semaphore_mem>>) src(%arg6 : memref<16384xf32, #tpu.memory_space<vmem>>) dst(%dma_wait3A_483 : memref<16384xf32, #tpu.memory_space<vmem_shared>>)
    %add3A_484 = arith.constant 49152 : i32
    %add3A_485 = arith.addi %mul3A_211, %add3A_484 : i32
    %dma_wait3A_486 = tpu.memref_slice %arg5[%add3A_485] : memref<1048576xf32, #tpu.memory_space<vmem_shared>> -> memref<16384xf32, #tpu.memory_space<vmem_shared>>
    %dma_wait3A_487 = tpu.memref_slice %arg5[%add3A_485] : memref<1048576xf32, #tpu.memory_space<vmem_shared>> -> memref<16384xf32, #tpu.memory_space<vmem_shared>>
    tpu.wait_dma2 semaphore(%arg24 : memref<!tpu.dma_semaphore, #tpu.memory_space<semaphore_mem>>) src(%arg6 : memref<16384xf32, #tpu.memory_space<vmem>>) dst(%dma_wait3A_487 : memref<16384xf32, #tpu.memory_space<vmem_shared>>)
    %barrier3A_488 = arith.constant 0 : index
    tpu.barrier barrier_id(%barrier3A_488)
    %dma_start3A_489 = arith.constant 0 : i32
    %dma_start3A_490 = tpu.memref_slice %arg5[%dma_start3A_489] : memref<1048576xf32, #tpu.memory_space<vmem_shared>> -> memref<1048576xf32, #tpu.memory_space<vmem_shared>>
    tpu.enqueue_indirect_dma source(%arg20 : memref<1024xf32, #tpu.memory_space<vmem>>) target(%dma_start3A_490 : memref<1048576xf32, #tpu.memory_space<vmem_shared>>) offsets(%arg12 : memref<1024xi32, #tpu.memory_space<vmem>>) semaphore(%arg24 : memref<!tpu.dma_semaphore, #tpu.memory_space<semaphore_mem>>)
    %dma_wait3A_491 = arith.constant 0 : i32
    %dma_wait3A_492 = tpu.memref_slice %arg5[%dma_wait3A_491] : memref<1048576xf32, #tpu.memory_space<vmem_shared>> -> memref<1048576xf32, #tpu.memory_space<vmem_shared>>
    tpu.wait_indirect_dma semaphore(%arg24 : memref<!tpu.dma_semaphore, #tpu.memory_space<semaphore_mem>>) src(%arg20 : memref<1024xf32, #tpu.memory_space<vmem>>) dst(%dma_wait3A_492 : memref<1048576xf32, #tpu.memory_space<vmem_shared>>)
    %barrier3A_493 = arith.constant 0 : index
    tpu.barrier barrier_id(%barrier3A_493)
    %mul3A_494 = arith.constant 8 : i32
    %mul3A_495 = arith.muli %arg0, %mul3A_494 : i32
    %add3A_496 = arith.constant 5 : i32
    %add3A_497 = arith.addi %mul3A_495, %add3A_496 : i32
    %mul3A_498 = arith.constant 1048576 : i32
    %mul3A_499 = arith.muli %add3A_497, %mul3A_498 : i32
    %add3A_500 = arith.addi %mul3A_499, %mul3A_211 : i32
    %dma_start3A_501 = tpu.memref_slice %arg4[%add3A_500] : memref<16777216xf32, #tpu.memory_space<hbm>> -> memref<65536xf32, #tpu.memory_space<hbm>>
    %dma_start3A_502 = tpu.memref_slice %arg5[%mul3A_211] : memref<1048576xf32, #tpu.memory_space<vmem_shared>> -> memref<65536xf32, #tpu.memory_space<vmem_shared>>
    tpu.enqueue_dma source(%dma_start3A_502 : memref<65536xf32, #tpu.memory_space<vmem_shared>>) target(%dma_start3A_501 : memref<65536xf32, #tpu.memory_space<hbm>>) target_semaphore(%arg25 : memref<!tpu.dma_semaphore, #tpu.memory_space<semaphore_mem>>)
    %dma_wait3A_503 = tpu.memref_slice %arg4[%add3A_500] : memref<16777216xf32, #tpu.memory_space<hbm>> -> memref<65536xf32, #tpu.memory_space<hbm>>
    %dma_wait3A_504 = tpu.memref_slice %arg5[%mul3A_211] : memref<1048576xf32, #tpu.memory_space<vmem_shared>> -> memref<65536xf32, #tpu.memory_space<vmem_shared>>
    tpu.wait_dma2 semaphore(%arg25 : memref<!tpu.dma_semaphore, #tpu.memory_space<semaphore_mem>>) src(%dma_wait3A_504 : memref<65536xf32, #tpu.memory_space<vmem_shared>>) dst(%dma_wait3A_503 : memref<65536xf32, #tpu.memory_space<hbm>>)
    %add3A_505 = arith.constant 0 : i32
    %add3A_506 = arith.addi %mul3A_211, %add3A_505 : i32
    %dma_start3A_507 = tpu.memref_slice %arg5[%add3A_506] : memref<1048576xf32, #tpu.memory_space<vmem_shared>> -> memref<16384xf32, #tpu.memory_space<vmem_shared>>
    %dma_start3A_508 = tpu.memref_slice %arg5[%add3A_506] : memref<1048576xf32, #tpu.memory_space<vmem_shared>> -> memref<16384xf32, #tpu.memory_space<vmem_shared>>
    tpu.enqueue_dma source(%arg6 : memref<16384xf32, #tpu.memory_space<vmem>>) target(%dma_start3A_508 : memref<16384xf32, #tpu.memory_space<vmem_shared>>) target_semaphore(%arg24 : memref<!tpu.dma_semaphore, #tpu.memory_space<semaphore_mem>>)
    %add3A_509 = arith.constant 16384 : i32
    %add3A_510 = arith.addi %mul3A_211, %add3A_509 : i32
    %dma_start3A_511 = tpu.memref_slice %arg5[%add3A_510] : memref<1048576xf32, #tpu.memory_space<vmem_shared>> -> memref<16384xf32, #tpu.memory_space<vmem_shared>>
    %dma_start3A_512 = tpu.memref_slice %arg5[%add3A_510] : memref<1048576xf32, #tpu.memory_space<vmem_shared>> -> memref<16384xf32, #tpu.memory_space<vmem_shared>>
    tpu.enqueue_dma source(%arg6 : memref<16384xf32, #tpu.memory_space<vmem>>) target(%dma_start3A_512 : memref<16384xf32, #tpu.memory_space<vmem_shared>>) target_semaphore(%arg24 : memref<!tpu.dma_semaphore, #tpu.memory_space<semaphore_mem>>)
    %add3A_513 = arith.constant 32768 : i32
    %add3A_514 = arith.addi %mul3A_211, %add3A_513 : i32
    %dma_start3A_515 = tpu.memref_slice %arg5[%add3A_514] : memref<1048576xf32, #tpu.memory_space<vmem_shared>> -> memref<16384xf32, #tpu.memory_space<vmem_shared>>
    %dma_start3A_516 = tpu.memref_slice %arg5[%add3A_514] : memref<1048576xf32, #tpu.memory_space<vmem_shared>> -> memref<16384xf32, #tpu.memory_space<vmem_shared>>
    tpu.enqueue_dma source(%arg6 : memref<16384xf32, #tpu.memory_space<vmem>>) target(%dma_start3A_516 : memref<16384xf32, #tpu.memory_space<vmem_shared>>) target_semaphore(%arg24 : memref<!tpu.dma_semaphore, #tpu.memory_space<semaphore_mem>>)
    %add3A_517 = arith.constant 49152 : i32
    %add3A_518 = arith.addi %mul3A_211, %add3A_517 : i32
    %dma_start3A_519 = tpu.memref_slice %arg5[%add3A_518] : memref<1048576xf32, #tpu.memory_space<vmem_shared>> -> memref<16384xf32, #tpu.memory_space<vmem_shared>>
    %dma_start3A_520 = tpu.memref_slice %arg5[%add3A_518] : memref<1048576xf32, #tpu.memory_space<vmem_shared>> -> memref<16384xf32, #tpu.memory_space<vmem_shared>>
    tpu.enqueue_dma source(%arg6 : memref<16384xf32, #tpu.memory_space<vmem>>) target(%dma_start3A_520 : memref<16384xf32, #tpu.memory_space<vmem_shared>>) target_semaphore(%arg24 : memref<!tpu.dma_semaphore, #tpu.memory_space<semaphore_mem>>)
    %add3A_521 = arith.constant 0 : i32
    %add3A_522 = arith.addi %mul3A_211, %add3A_521 : i32
    %dma_wait3A_523 = tpu.memref_slice %arg5[%add3A_522] : memref<1048576xf32, #tpu.memory_space<vmem_shared>> -> memref<16384xf32, #tpu.memory_space<vmem_shared>>
    %dma_wait3A_524 = tpu.memref_slice %arg5[%add3A_522] : memref<1048576xf32, #tpu.memory_space<vmem_shared>> -> memref<16384xf32, #tpu.memory_space<vmem_shared>>
    tpu.wait_dma2 semaphore(%arg24 : memref<!tpu.dma_semaphore, #tpu.memory_space<semaphore_mem>>) src(%arg6 : memref<16384xf32, #tpu.memory_space<vmem>>) dst(%dma_wait3A_524 : memref<16384xf32, #tpu.memory_space<vmem_shared>>)
    %add3A_525 = arith.constant 16384 : i32
    %add3A_526 = arith.addi %mul3A_211, %add3A_525 : i32
    %dma_wait3A_527 = tpu.memref_slice %arg5[%add3A_526] : memref<1048576xf32, #tpu.memory_space<vmem_shared>> -> memref<16384xf32, #tpu.memory_space<vmem_shared>>
    %dma_wait3A_528 = tpu.memref_slice %arg5[%add3A_526] : memref<1048576xf32, #tpu.memory_space<vmem_shared>> -> memref<16384xf32, #tpu.memory_space<vmem_shared>>
    tpu.wait_dma2 semaphore(%arg24 : memref<!tpu.dma_semaphore, #tpu.memory_space<semaphore_mem>>) src(%arg6 : memref<16384xf32, #tpu.memory_space<vmem>>) dst(%dma_wait3A_528 : memref<16384xf32, #tpu.memory_space<vmem_shared>>)
    %add3A_529 = arith.constant 32768 : i32
    %add3A_530 = arith.addi %mul3A_211, %add3A_529 : i32
    %dma_wait3A_531 = tpu.memref_slice %arg5[%add3A_530] : memref<1048576xf32, #tpu.memory_space<vmem_shared>> -> memref<16384xf32, #tpu.memory_space<vmem_shared>>
    %dma_wait3A_532 = tpu.memref_slice %arg5[%add3A_530] : memref<1048576xf32, #tpu.memory_space<vmem_shared>> -> memref<16384xf32, #tpu.memory_space<vmem_shared>>
    tpu.wait_dma2 semaphore(%arg24 : memref<!tpu.dma_semaphore, #tpu.memory_space<semaphore_mem>>) src(%arg6 : memref<16384xf32, #tpu.memory_space<vmem>>) dst(%dma_wait3A_532 : memref<16384xf32, #tpu.memory_space<vmem_shared>>)
    %add3A_533 = arith.constant 49152 : i32
    %add3A_534 = arith.addi %mul3A_211, %add3A_533 : i32
    %dma_wait3A_535 = tpu.memref_slice %arg5[%add3A_534] : memref<1048576xf32, #tpu.memory_space<vmem_shared>> -> memref<16384xf32, #tpu.memory_space<vmem_shared>>
    %dma_wait3A_536 = tpu.memref_slice %arg5[%add3A_534] : memref<1048576xf32, #tpu.memory_space<vmem_shared>> -> memref<16384xf32, #tpu.memory_space<vmem_shared>>
    tpu.wait_dma2 semaphore(%arg24 : memref<!tpu.dma_semaphore, #tpu.memory_space<semaphore_mem>>) src(%arg6 : memref<16384xf32, #tpu.memory_space<vmem>>) dst(%dma_wait3A_536 : memref<16384xf32, #tpu.memory_space<vmem_shared>>)
    %barrier3A_537 = arith.constant 0 : index
    tpu.barrier barrier_id(%barrier3A_537)
    %dma_start3A_538 = arith.constant 0 : i32
    %dma_start3A_539 = tpu.memref_slice %arg5[%dma_start3A_538] : memref<1048576xf32, #tpu.memory_space<vmem_shared>> -> memref<1048576xf32, #tpu.memory_space<vmem_shared>>
    tpu.enqueue_indirect_dma source(%arg21 : memref<1024xf32, #tpu.memory_space<vmem>>) target(%dma_start3A_539 : memref<1048576xf32, #tpu.memory_space<vmem_shared>>) offsets(%arg13 : memref<1024xi32, #tpu.memory_space<vmem>>) semaphore(%arg24 : memref<!tpu.dma_semaphore, #tpu.memory_space<semaphore_mem>>)
    %dma_wait3A_540 = arith.constant 0 : i32
    %dma_wait3A_541 = tpu.memref_slice %arg5[%dma_wait3A_540] : memref<1048576xf32, #tpu.memory_space<vmem_shared>> -> memref<1048576xf32, #tpu.memory_space<vmem_shared>>
    tpu.wait_indirect_dma semaphore(%arg24 : memref<!tpu.dma_semaphore, #tpu.memory_space<semaphore_mem>>) src(%arg21 : memref<1024xf32, #tpu.memory_space<vmem>>) dst(%dma_wait3A_541 : memref<1048576xf32, #tpu.memory_space<vmem_shared>>)
    %barrier3A_542 = arith.constant 0 : index
    tpu.barrier barrier_id(%barrier3A_542)
    %mul3A_543 = arith.constant 8 : i32
    %mul3A_544 = arith.muli %arg0, %mul3A_543 : i32
    %add3A_545 = arith.constant 6 : i32
    %add3A_546 = arith.addi %mul3A_544, %add3A_545 : i32
    %mul3A_547 = arith.constant 1048576 : i32
    %mul3A_548 = arith.muli %add3A_546, %mul3A_547 : i32
    %add3A_549 = arith.addi %mul3A_548, %mul3A_211 : i32
    %dma_start3A_550 = tpu.memref_slice %arg4[%add3A_549] : memref<16777216xf32, #tpu.memory_space<hbm>> -> memref<65536xf32, #tpu.memory_space<hbm>>
    %dma_start3A_551 = tpu.memref_slice %arg5[%mul3A_211] : memref<1048576xf32, #tpu.memory_space<vmem_shared>> -> memref<65536xf32, #tpu.memory_space<vmem_shared>>
    tpu.enqueue_dma source(%dma_start3A_551 : memref<65536xf32, #tpu.memory_space<vmem_shared>>) target(%dma_start3A_550 : memref<65536xf32, #tpu.memory_space<hbm>>) target_semaphore(%arg25 : memref<!tpu.dma_semaphore, #tpu.memory_space<semaphore_mem>>)
    %dma_wait3A_552 = tpu.memref_slice %arg4[%add3A_549] : memref<16777216xf32, #tpu.memory_space<hbm>> -> memref<65536xf32, #tpu.memory_space<hbm>>
    %dma_wait3A_553 = tpu.memref_slice %arg5[%mul3A_211] : memref<1048576xf32, #tpu.memory_space<vmem_shared>> -> memref<65536xf32, #tpu.memory_space<vmem_shared>>
    tpu.wait_dma2 semaphore(%arg25 : memref<!tpu.dma_semaphore, #tpu.memory_space<semaphore_mem>>) src(%dma_wait3A_553 : memref<65536xf32, #tpu.memory_space<vmem_shared>>) dst(%dma_wait3A_552 : memref<65536xf32, #tpu.memory_space<hbm>>)
    %add3A_554 = arith.constant 0 : i32
    %add3A_555 = arith.addi %mul3A_211, %add3A_554 : i32
    %dma_start3A_556 = tpu.memref_slice %arg5[%add3A_555] : memref<1048576xf32, #tpu.memory_space<vmem_shared>> -> memref<16384xf32, #tpu.memory_space<vmem_shared>>
    %dma_start3A_557 = tpu.memref_slice %arg5[%add3A_555] : memref<1048576xf32, #tpu.memory_space<vmem_shared>> -> memref<16384xf32, #tpu.memory_space<vmem_shared>>
    tpu.enqueue_dma source(%arg6 : memref<16384xf32, #tpu.memory_space<vmem>>) target(%dma_start3A_557 : memref<16384xf32, #tpu.memory_space<vmem_shared>>) target_semaphore(%arg24 : memref<!tpu.dma_semaphore, #tpu.memory_space<semaphore_mem>>)
    %add3A_558 = arith.constant 16384 : i32
    %add3A_559 = arith.addi %mul3A_211, %add3A_558 : i32
    %dma_start3A_560 = tpu.memref_slice %arg5[%add3A_559] : memref<1048576xf32, #tpu.memory_space<vmem_shared>> -> memref<16384xf32, #tpu.memory_space<vmem_shared>>
    %dma_start3A_561 = tpu.memref_slice %arg5[%add3A_559] : memref<1048576xf32, #tpu.memory_space<vmem_shared>> -> memref<16384xf32, #tpu.memory_space<vmem_shared>>
    tpu.enqueue_dma source(%arg6 : memref<16384xf32, #tpu.memory_space<vmem>>) target(%dma_start3A_561 : memref<16384xf32, #tpu.memory_space<vmem_shared>>) target_semaphore(%arg24 : memref<!tpu.dma_semaphore, #tpu.memory_space<semaphore_mem>>)
    %add3A_562 = arith.constant 32768 : i32
    %add3A_563 = arith.addi %mul3A_211, %add3A_562 : i32
    %dma_start3A_564 = tpu.memref_slice %arg5[%add3A_563] : memref<1048576xf32, #tpu.memory_space<vmem_shared>> -> memref<16384xf32, #tpu.memory_space<vmem_shared>>
    %dma_start3A_565 = tpu.memref_slice %arg5[%add3A_563] : memref<1048576xf32, #tpu.memory_space<vmem_shared>> -> memref<16384xf32, #tpu.memory_space<vmem_shared>>
    tpu.enqueue_dma source(%arg6 : memref<16384xf32, #tpu.memory_space<vmem>>) target(%dma_start3A_565 : memref<16384xf32, #tpu.memory_space<vmem_shared>>) target_semaphore(%arg24 : memref<!tpu.dma_semaphore, #tpu.memory_space<semaphore_mem>>)
    %add3A_566 = arith.constant 49152 : i32
    %add3A_567 = arith.addi %mul3A_211, %add3A_566 : i32
    %dma_start3A_568 = tpu.memref_slice %arg5[%add3A_567] : memref<1048576xf32, #tpu.memory_space<vmem_shared>> -> memref<16384xf32, #tpu.memory_space<vmem_shared>>
    %dma_start3A_569 = tpu.memref_slice %arg5[%add3A_567] : memref<1048576xf32, #tpu.memory_space<vmem_shared>> -> memref<16384xf32, #tpu.memory_space<vmem_shared>>
    tpu.enqueue_dma source(%arg6 : memref<16384xf32, #tpu.memory_space<vmem>>) target(%dma_start3A_569 : memref<16384xf32, #tpu.memory_space<vmem_shared>>) target_semaphore(%arg24 : memref<!tpu.dma_semaphore, #tpu.memory_space<semaphore_mem>>)
    %add3A_570 = arith.constant 0 : i32
    %add3A_571 = arith.addi %mul3A_211, %add3A_570 : i32
    %dma_wait3A_572 = tpu.memref_slice %arg5[%add3A_571] : memref<1048576xf32, #tpu.memory_space<vmem_shared>> -> memref<16384xf32, #tpu.memory_space<vmem_shared>>
    %dma_wait3A_573 = tpu.memref_slice %arg5[%add3A_571] : memref<1048576xf32, #tpu.memory_space<vmem_shared>> -> memref<16384xf32, #tpu.memory_space<vmem_shared>>
    tpu.wait_dma2 semaphore(%arg24 : memref<!tpu.dma_semaphore, #tpu.memory_space<semaphore_mem>>) src(%arg6 : memref<16384xf32, #tpu.memory_space<vmem>>) dst(%dma_wait3A_573 : memref<16384xf32, #tpu.memory_space<vmem_shared>>)
    %add3A_574 = arith.constant 16384 : i32
    %add3A_575 = arith.addi %mul3A_211, %add3A_574 : i32
    %dma_wait3A_576 = tpu.memref_slice %arg5[%add3A_575] : memref<1048576xf32, #tpu.memory_space<vmem_shared>> -> memref<16384xf32, #tpu.memory_space<vmem_shared>>
    %dma_wait3A_577 = tpu.memref_slice %arg5[%add3A_575] : memref<1048576xf32, #tpu.memory_space<vmem_shared>> -> memref<16384xf32, #tpu.memory_space<vmem_shared>>
    tpu.wait_dma2 semaphore(%arg24 : memref<!tpu.dma_semaphore, #tpu.memory_space<semaphore_mem>>) src(%arg6 : memref<16384xf32, #tpu.memory_space<vmem>>) dst(%dma_wait3A_577 : memref<16384xf32, #tpu.memory_space<vmem_shared>>)
    %add3A_578 = arith.constant 32768 : i32
    %add3A_579 = arith.addi %mul3A_211, %add3A_578 : i32
    %dma_wait3A_580 = tpu.memref_slice %arg5[%add3A_579] : memref<1048576xf32, #tpu.memory_space<vmem_shared>> -> memref<16384xf32, #tpu.memory_space<vmem_shared>>
    %dma_wait3A_581 = tpu.memref_slice %arg5[%add3A_579] : memref<1048576xf32, #tpu.memory_space<vmem_shared>> -> memref<16384xf32, #tpu.memory_space<vmem_shared>>
    tpu.wait_dma2 semaphore(%arg24 : memref<!tpu.dma_semaphore, #tpu.memory_space<semaphore_mem>>) src(%arg6 : memref<16384xf32, #tpu.memory_space<vmem>>) dst(%dma_wait3A_581 : memref<16384xf32, #tpu.memory_space<vmem_shared>>)
    %add3A_582 = arith.constant 49152 : i32
    %add3A_583 = arith.addi %mul3A_211, %add3A_582 : i32
    %dma_wait3A_584 = tpu.memref_slice %arg5[%add3A_583] : memref<1048576xf32, #tpu.memory_space<vmem_shared>> -> memref<16384xf32, #tpu.memory_space<vmem_shared>>
    %dma_wait3A_585 = tpu.memref_slice %arg5[%add3A_583] : memref<1048576xf32, #tpu.memory_space<vmem_shared>> -> memref<16384xf32, #tpu.memory_space<vmem_shared>>
    tpu.wait_dma2 semaphore(%arg24 : memref<!tpu.dma_semaphore, #tpu.memory_space<semaphore_mem>>) src(%arg6 : memref<16384xf32, #tpu.memory_space<vmem>>) dst(%dma_wait3A_585 : memref<16384xf32, #tpu.memory_space<vmem_shared>>)
    %barrier3A_586 = arith.constant 0 : index
    tpu.barrier barrier_id(%barrier3A_586)
    %dma_start3A_587 = arith.constant 0 : i32
    %dma_start3A_588 = tpu.memref_slice %arg5[%dma_start3A_587] : memref<1048576xf32, #tpu.memory_space<vmem_shared>> -> memref<1048576xf32, #tpu.memory_space<vmem_shared>>
    tpu.enqueue_indirect_dma source(%arg22 : memref<1024xf32, #tpu.memory_space<vmem>>) target(%dma_start3A_588 : memref<1048576xf32, #tpu.memory_space<vmem_shared>>) offsets(%arg14 : memref<1024xi32, #tpu.memory_space<vmem>>) semaphore(%arg24 : memref<!tpu.dma_semaphore, #tpu.memory_space<semaphore_mem>>)
    %dma_wait3A_589 = arith.constant 0 : i32
    %dma_wait3A_590 = tpu.memref_slice %arg5[%dma_wait3A_589] : memref<1048576xf32, #tpu.memory_space<vmem_shared>> -> memref<1048576xf32, #tpu.memory_space<vmem_shared>>
    tpu.wait_indirect_dma semaphore(%arg24 : memref<!tpu.dma_semaphore, #tpu.memory_space<semaphore_mem>>) src(%arg22 : memref<1024xf32, #tpu.memory_space<vmem>>) dst(%dma_wait3A_590 : memref<1048576xf32, #tpu.memory_space<vmem_shared>>)
    %barrier3A_591 = arith.constant 0 : index
    tpu.barrier barrier_id(%barrier3A_591)
    %mul3A_592 = arith.constant 8 : i32
    %mul3A_593 = arith.muli %arg0, %mul3A_592 : i32
    %add3A_594 = arith.constant 7 : i32
    %add3A_595 = arith.addi %mul3A_593, %add3A_594 : i32
    %mul3A_596 = arith.constant 1048576 : i32
    %mul3A_597 = arith.muli %add3A_595, %mul3A_596 : i32
    %add3A_598 = arith.addi %mul3A_597, %mul3A_211 : i32
    %dma_start3A_599 = tpu.memref_slice %arg4[%add3A_598] : memref<16777216xf32, #tpu.memory_space<hbm>> -> memref<65536xf32, #tpu.memory_space<hbm>>
    %dma_start3A_600 = tpu.memref_slice %arg5[%mul3A_211] : memref<1048576xf32, #tpu.memory_space<vmem_shared>> -> memref<65536xf32, #tpu.memory_space<vmem_shared>>
    tpu.enqueue_dma source(%dma_start3A_600 : memref<65536xf32, #tpu.memory_space<vmem_shared>>) target(%dma_start3A_599 : memref<65536xf32, #tpu.memory_space<hbm>>) target_semaphore(%arg25 : memref<!tpu.dma_semaphore, #tpu.memory_space<semaphore_mem>>)
    %dma_wait3A_601 = tpu.memref_slice %arg4[%add3A_598] : memref<16777216xf32, #tpu.memory_space<hbm>> -> memref<65536xf32, #tpu.memory_space<hbm>>
    %dma_wait3A_602 = tpu.memref_slice %arg5[%mul3A_211] : memref<1048576xf32, #tpu.memory_space<vmem_shared>> -> memref<65536xf32, #tpu.memory_space<vmem_shared>>
    tpu.wait_dma2 semaphore(%arg25 : memref<!tpu.dma_semaphore, #tpu.memory_space<semaphore_mem>>) src(%dma_wait3A_602 : memref<65536xf32, #tpu.memory_space<vmem_shared>>) dst(%dma_wait3A_601 : memref<65536xf32, #tpu.memory_space<hbm>>)
    return
  }
}

module attributes {stable_mosaic.version = 14 : i64} {
  func.func @_mlp_body(%arg0: i32, %arg1: i32, %arg2: memref<1x16384x128xf32, #tpu.memory_space<vmem>>, %arg3: memref<1x2x16384xi32, #tpu.memory_space<vmem>>, %arg4: memref<128x128xbf16, #tpu.memory_space<vmem>>, %arg5: memref<1x128xf32, #tpu.memory_space<vmem>>, %arg6: memref<128x128xbf16, #tpu.memory_space<vmem>>, %arg7: memref<1x128xf32, #tpu.memory_space<vmem>>, %arg8: memref<1x128xbf16, #tpu.memory_space<vmem>>, %arg9: memref<1x1xf32, #tpu.memory_space<vmem>>, %arg10: memref<128x128xf32, #tpu.memory_space<vmem>>, %arg11: memref<128x128xi32, #tpu.memory_space<vmem>>) attributes {dimension_semantics = [#tpu.dimension_semantics<arbitrary>, #tpu.dimension_semantics<arbitrary>], iteration_bounds = array<i64: 16, 1>, scalar_prefetch = 0 : i64, scratch_operands = 0 : i64, tpu.core_type = #tpu.core_type<tc>, window_params = [{transform_indices = @transform_0, window_bounds = array<i64: 1, 16384, 128>}, {transform_indices = @transform_1, window_bounds = array<i64: 1, 2, 16384>}, {pipeline_mode = #tpu.pipeline_mode<synchronous>, transform_indices = @transform_2, window_bounds = array<i64: 128, 128>}, {pipeline_mode = #tpu.pipeline_mode<synchronous>, transform_indices = @transform_3, window_bounds = array<i64: 1, 128>}, {pipeline_mode = #tpu.pipeline_mode<synchronous>, transform_indices = @transform_4, window_bounds = array<i64: 128, 128>}, {pipeline_mode = #tpu.pipeline_mode<synchronous>, transform_indices = @transform_5, window_bounds = array<i64: 1, 128>}, {pipeline_mode = #tpu.pipeline_mode<synchronous>, transform_indices = @transform_6, window_bounds = array<i64: 1, 128>}, {pipeline_mode = #tpu.pipeline_mode<synchronous>, transform_indices = @transform_7, window_bounds = array<i64: 1, 1>}, {transform_indices = @transform_8, window_bounds = array<i64: 128, 128>}, {transform_indices = @transform_9, window_bounds = array<i64: 128, 128>}]} {
    %get3A = arith.constant 0 : index
    %get3A_0 = arith.constant 0 : index
    %get3A_1 = arith.constant 0 : index
    %get3A_2 = vector.load %arg2[%get3A, %get3A_0, %get3A_1] : memref<1x16384x128xf32, #tpu.memory_space<vmem>>, vector<1x16384x128xf32>
    %get3A_3 = vector.shape_cast %get3A_2 : vector<1x16384x128xf32> to vector<16384x128xf32>
    %convert_element_type3A = arith.truncf %get3A_3 : vector<16384x128xf32> to vector<16384x128xbf16>
    %get3A_4 = arith.constant 0 : index
    %get3A_5 = arith.constant 0 : index
    %get3A_6 = vector.load %arg4[%get3A_4, %get3A_5] : memref<128x128xbf16, #tpu.memory_space<vmem>>, vector<128x128xbf16>
    %dot_general3A = arith.constant dense<0.000000e+00> : vector<16384x128xf32>
    %dot_general3A_7 = tpu.matmul %convert_element_type3A, %get3A_6, %dot_general3A {dimension_numbers = #tpu.dot_dimension_numbers<[1], [0], [0], [1], [0, 0, 1, 1], [], []>, transpose_lhs_hint = false} : vector<16384x128xbf16>, vector<128x128xbf16>, vector<16384x128xf32> -> vector<16384x128xf32>
    %get3A_8 = arith.constant 0 : index
    %get3A_9 = arith.constant 0 : index
    %get3A_10 = vector.load %arg5[%get3A_8, %get3A_9] : memref<1x128xf32, #tpu.memory_space<vmem>>, vector<1x128xf32>
    %get3A_11 = vector.shape_cast %get3A_10 : vector<1x128xf32> to vector<128xf32>
    %broadcast_in_dim3A = vector.shape_cast %get3A_11 : vector<128xf32> to vector<1x128xf32>
    %add3A = vector.broadcast %broadcast_in_dim3A : vector<1x128xf32> to vector<16384x128xf32>
    %add3A_12 = arith.addf %dot_general3A_7, %add3A : vector<16384x128xf32>
    %tanh3A = math.tanh %add3A_12 : vector<16384x128xf32>
    %add3A_13 = arith.constant 1.000000e+00 : f32
    %add3A_14 = vector.broadcast %add3A_13 : f32 to vector<16384x128xf32>
    %add3A_15 = arith.addf %add3A_14, %tanh3A : vector<16384x128xf32>
    %mul3A = arith.mulf %add3A_12, %add3A_15 : vector<16384x128xf32>
    %convert_element_type3A_16 = arith.truncf %mul3A : vector<16384x128xf32> to vector<16384x128xbf16>
    %get3A_17 = arith.constant 0 : index
    %get3A_18 = arith.constant 0 : index
    %get3A_19 = vector.load %arg6[%get3A_17, %get3A_18] : memref<128x128xbf16, #tpu.memory_space<vmem>>, vector<128x128xbf16>
    %dot_general3A_20 = arith.constant dense<0.000000e+00> : vector<16384x128xf32>
    %dot_general3A_21 = tpu.matmul %convert_element_type3A_16, %get3A_19, %dot_general3A_20 {dimension_numbers = #tpu.dot_dimension_numbers<[1], [0], [0], [1], [0, 0, 1, 1], [], []>, transpose_lhs_hint = false} : vector<16384x128xbf16>, vector<128x128xbf16>, vector<16384x128xf32> -> vector<16384x128xf32>
    %get3A_22 = arith.constant 0 : index
    %get3A_23 = arith.constant 0 : index
    %get3A_24 = vector.load %arg7[%get3A_22, %get3A_23] : memref<1x128xf32, #tpu.memory_space<vmem>>, vector<1x128xf32>
    %get3A_25 = vector.shape_cast %get3A_24 : vector<1x128xf32> to vector<128xf32>
    %broadcast_in_dim3A_26 = vector.shape_cast %get3A_25 : vector<128xf32> to vector<1x128xf32>
    %add3A_27 = vector.broadcast %broadcast_in_dim3A_26 : vector<1x128xf32> to vector<16384x128xf32>
    %add3A_28 = arith.addf %dot_general3A_21, %add3A_27 : vector<16384x128xf32>
    %tanh3A_29 = math.tanh %add3A_28 : vector<16384x128xf32>
    %add3A_30 = arith.constant 1.000000e+00 : f32
    %add3A_31 = vector.broadcast %add3A_30 : f32 to vector<16384x128xf32>
    %add3A_32 = arith.addf %add3A_31, %tanh3A_29 : vector<16384x128xf32>
    %mul3A_33 = arith.mulf %add3A_28, %add3A_32 : vector<16384x128xf32>
    %convert_element_type3A_34 = arith.truncf %mul3A_33 : vector<16384x128xf32> to vector<16384x128xbf16>
    %get3A_35 = arith.constant 0 : index
    %get3A_36 = arith.constant 0 : index
    %get3A_37 = vector.load %arg8[%get3A_35, %get3A_36] : memref<1x128xbf16, #tpu.memory_space<vmem>>, vector<1x128xbf16>
    %dot_general3A_38 = arith.constant dense<0.000000e+00> : vector<1x16384xf32>
    %dot_general3A_39 = tpu.matmul %get3A_37, %convert_element_type3A_34, %dot_general3A_38 {dimension_numbers = #tpu.dot_dimension_numbers<[1], [1], [0], [0], [0, 0, 1, 0], [], []>, transpose_lhs_hint = false} : vector<1x128xbf16>, vector<16384x128xbf16>, vector<1x16384xf32> -> vector<1x16384xf32>
    %get3A_40 = arith.constant 0 : index
    %get3A_41 = arith.constant 0 : index
    %get3A_42 = vector.load %arg9[%get3A_40, %get3A_41] : memref<1x1xf32, #tpu.memory_space<vmem>>, vector<1x1xf32>
    %get3A_43 = vector.extract %get3A_42[0, 0] : f32 from vector<1x1xf32>
    %add3A_44 = vector.broadcast %get3A_43 : f32 to vector<1x16384xf32>
    %add3A_45 = arith.addf %dot_general3A_39, %add3A_44 : vector<1x16384xf32>
    %tanh3A_46 = math.tanh %add3A_45 : vector<1x16384xf32>
    %add3A_47 = arith.constant 1.000000e+00 : f32
    %add3A_48 = vector.broadcast %add3A_47 : f32 to vector<1x16384xf32>
    %add3A_49 = arith.addf %add3A_48, %tanh3A_46 : vector<1x16384xf32>
    %mul3A_50 = arith.constant 5.000000e-01 : f32
    %mul3A_51 = vector.broadcast %mul3A_50 : f32 to vector<1x16384xf32>
    %mul3A_52 = arith.mulf %mul3A_51, %add3A_49 : vector<1x16384xf32>
    %add3A_53 = arith.constant 1.000000e-10 : f32
    %add3A_54 = vector.broadcast %add3A_53 : f32 to vector<1x16384xf32>
    %add3A_55 = arith.addf %mul3A_52, %add3A_54 : vector<1x16384xf32>
    %log3A = math.log %add3A_55 : vector<1x16384xf32>
    %reshape3A = vector.shape_cast %log3A : vector<1x16384xf32> to vector<128x128xf32>
    %swap3A = arith.constant 0 : index
    %swap3A_56 = arith.constant 0 : index
    %swap3A_57 = vector.load %arg10[%swap3A, %swap3A_56] : memref<128x128xf32, #tpu.memory_space<vmem>>, vector<128x128xf32>
    tpu.vector_store %arg10[%swap3A, %swap3A_56], %reshape3A {strides = array<i32>} : memref<128x128xf32, #tpu.memory_space<vmem>>, vector<128x128xf32>,
    %get3A_58 = arith.constant 0 : index
    %get3A_59 = arith.constant 0 : index
    %get3A_60 = arith.constant 0 : index
    %get3A_61 = vector.load %arg3[%get3A_58, %get3A_59, %get3A_60] : memref<1x2x16384xi32, #tpu.memory_space<vmem>>, vector<1x1x16384xi32>
    %get3A_62 = vector.shape_cast %get3A_61 : vector<1x1x16384xi32> to vector<1x16384xi32>
    %get3A_63 = arith.constant 0 : index
    %get3A_64 = arith.constant 1 : index
    %get3A_65 = arith.constant 0 : index
    %get3A_66 = vector.load %arg3[%get3A_63, %get3A_64, %get3A_65] : memref<1x2x16384xi32, #tpu.memory_space<vmem>>, vector<1x1x16384xi32>
    %get3A_67 = vector.shape_cast %get3A_66 : vector<1x1x16384xi32> to vector<1x16384xi32>
    %mul3A_68 = arith.constant 1024 : i32
    %mul3A_69 = vector.broadcast %mul3A_68 : i32 to vector<1x16384xi32>
    %mul3A_70 = arith.muli %get3A_62, %mul3A_69 : vector<1x16384xi32>
    %add3A_71 = arith.addi %mul3A_70, %get3A_67 : vector<1x16384xi32>
    %reshape3A_72 = vector.shape_cast %add3A_71 : vector<1x16384xi32> to vector<128x128xi32>
    %swap3A_73 = arith.constant 0 : index
    %swap3A_74 = arith.constant 0 : index
    %swap3A_75 = vector.load %arg11[%swap3A_73, %swap3A_74] : memref<128x128xi32, #tpu.memory_space<vmem>>, vector<128x128xi32>
    tpu.vector_store %arg11[%swap3A_73, %swap3A_74], %reshape3A_72 {strides = array<i32>} : memref<128x128xi32, #tpu.memory_space<vmem>>, vector<128x128xi32>,
    return
  }
  func.func @transform_0(%arg0: i32, %arg1: i32) -> (i32, i32, i32) {
    %c0_i32 = arith.constant 0 : i32
    %c0_i32_0 = arith.constant 0 : i32
    return %arg0, %arg1, %c0_i32 : i32, i32, i32
  }
  func.func @transform_1(%arg0: i32, %arg1: i32) -> (i32, i32, i32) {
    %c0_i32 = arith.constant 0 : i32
    %c0_i32_0 = arith.constant 0 : i32
    return %arg0, %c0_i32, %arg1 : i32, i32, i32
  }
  func.func @transform_2(%arg0: i32, %arg1: i32) -> (i32, i32) {
    %c0_i32 = arith.constant 0 : i32
    %c0_i32_0 = arith.constant 0 : i32
    %c0_i32_1 = arith.constant 0 : i32
    return %c0_i32, %c0_i32_0 : i32, i32
  }
  func.func @transform_3(%arg0: i32, %arg1: i32) -> (i32, i32) {
    %c0_i32 = arith.constant 0 : i32
    %c0_i32_0 = arith.constant 0 : i32
    %c0_i32_1 = arith.constant 0 : i32
    return %c0_i32, %c0_i32_0 : i32, i32
  }
  func.func @transform_4(%arg0: i32, %arg1: i32) -> (i32, i32) {
    %c0_i32 = arith.constant 0 : i32
    %c0_i32_0 = arith.constant 0 : i32
    %c0_i32_1 = arith.constant 0 : i32
    return %c0_i32, %c0_i32_0 : i32, i32
  }
  func.func @transform_5(%arg0: i32, %arg1: i32) -> (i32, i32) {
    %c0_i32 = arith.constant 0 : i32
    %c0_i32_0 = arith.constant 0 : i32
    %c0_i32_1 = arith.constant 0 : i32
    return %c0_i32, %c0_i32_0 : i32, i32
  }
  func.func @transform_6(%arg0: i32, %arg1: i32) -> (i32, i32) {
    %c0_i32 = arith.constant 0 : i32
    %c0_i32_0 = arith.constant 0 : i32
    %c0_i32_1 = arith.constant 0 : i32
    return %c0_i32, %c0_i32_0 : i32, i32
  }
  func.func @transform_7(%arg0: i32, %arg1: i32) -> (i32, i32) {
    %c0_i32 = arith.constant 0 : i32
    %c0_i32_0 = arith.constant 0 : i32
    %c0_i32_1 = arith.constant 0 : i32
    return %c0_i32, %c0_i32_0 : i32, i32
  }
  func.func @transform_8(%arg0: i32, %arg1: i32) -> (i32, i32) {
    %mul3A = arith.constant 1 : i32
    %mul3A_0 = arith.muli %arg0, %mul3A : i32
    %add3A = arith.addi %mul3A_0, %arg1 : i32
    %c0_i32 = arith.constant 0 : i32
    %c0_i32_1 = arith.constant 0 : i32
    return %add3A, %c0_i32 : i32, i32
  }
  func.func @transform_9(%arg0: i32, %arg1: i32) -> (i32, i32) {
    %mul3A = arith.constant 1 : i32
    %mul3A_0 = arith.muli %arg0, %mul3A : i32
    %add3A = arith.addi %mul3A_0, %arg1 : i32
    %c0_i32 = arith.constant 0 : i32
    %c0_i32_1 = arith.constant 0 : i32
    return %add3A, %c0_i32 : i32, i32
  }
}

</mosaic_0001>

<sc_bundles>
// kernel: kernel.4.cloned.1.call-start
scs
__scs_entry_jumppad:
0x0: {  	(pc) =	sbr.rel $0x88, $3  }
0x1: {  	(tag) =	ssettag $0x0;
	lr =	simm.s32 $0x1  }
0x2: {  	[smem:$0x3F99] =	sst lr;
	_ =	strace $0xD0000000  }
0x3: {  	_ = 	snop  }
0x4: {  	_ = 	snop  }
0x5: {  	_ = 	snop  }
0x6: {  	_ = 	snop  }
0x7: {  	_ = 	snop  }
__scs_overlays_trampoline_lowered:
0x8: {  	[smem:$0x3FA8] =	sst s0  }
0x9: {  	[smem:$0x3FA9] =	sst s1  }
0xa: {  	[smem:$0x3FAA] =	sst s2  }
0xb: {  	[smem:$0x3FAB] =	sst s3  }
0xc: {  	[smem:$0x3FAC] =	sst s4  }
0xd: {  	[smem:$0x3FAD] =	sst s5  }
0xe: {  	[smem:$0x3FAE] =	sst s6  }
0xf: {  	[smem:$0x3FAF] =	sst s7  }
0x10: {  	[smem:$0x3FB0] =	sst s8  }
0x11: {  	[smem:$0x3FB1] =	sst s9;
	s0 =	simm.s32 @!p0 $0x0  }
0x12: {  	s1 =	sld [smem:$0x3F97];
	s0 =	simm.s32 @p0 $0x1  }
0x13: {  	[smem:$0x3FB2] =	sst s0;
	s0 =	simm.s32 @!p1 $0x0  }
0x14: {  	s2 =	sld [smem:$0x3F96];
	s0 =	simm.s32 @p1 $0x1  }
0x15: {  	[smem:$0x3FB3] =	sst s0;
	s0 =	simm.s32 @!p2 $0x0  }
0x16: {  	s3 =	sld [smem:$0x3FDB];
	s0 =	simm.s32 @p2 $0x1  }
0x17: {  	s4 =	simm.s32 $0x1BF5;
	[smem:$0x3FB5] =	sst s0  }
0x18: {  	s0 =	sld [smem:$0x3F98];
	_ =	swait.ge [sflag:s4], $0x0  }
0x19: {  	s7 =	sld [smem:$0x3F99]  }
0x1a: {  	s8 =	sadd.s32 $0xFFFFE003, lr  }
0x1b: {  	s9 =	sadd.s32 $0xFFFFFEF7, lr;
	s5 =	simm.s32 $0xFFFFFFFF;
	p2 =	slt.u32 s8, $0xFFFFF086  }
0x1c: {  	p1 =	slt.u32 s9, $0xF7A;
	s5 =	simm.s32 @!p2 $0x0  }
0x1d: {  	s5 =	simm.s32 @p1 $0x1;
	p0 =	seq.s32 s7, s2  }
0x1e: {  	s7 =	smul.u32 @!p0 $0xF7A, s2;
	p2 =	seq.s32 @!p0 s5, $0x0  }
0x1f: {  	s9 =	smul.u32 $0xF7A, s1;
	s8 =	simm.s32 @!p0 $0x1BF5;
	p2 =	por !p2, p0  }
0x20: {  	[sflag:s8] =	ssyncset.s32 @!p0 $0xFFFFF086;
	s6 =	sadd.s32 @!p0 s3, s7;
	s7 =	simm.s32 @!p0 $0x108  }
0x21: {  	s3 =	sadd.s32 s3, s9;
	s6 =	sadd.s32 @!p0 $0x88, s6;
	s7 =	simm.s32 @p2 $0x1082  }
0x22: {  	[simem:s7], [sflag:s8] =	dma.local @!p0 [hbm:s6], $0xF7A  }
0x23: {  	s9 =	sor.u32 $0xD0000000, s2;
	s6 =	simm.s32 $0x108;
	_ =	swait.ge @!p0 [sflag:s8], $0x0  }
0x24: {  	s3 =	sadd.s32 $0x88, s3;
	s6 =	simm.s32 @!p1 $0x1082;
	[sflag:s4] =	ssyncset.s32 $0xFFFFF086  }
0x25: {  	[simem:s6], [sflag:s4] =	dma.local [hbm:s3], $0xF7A  }
0x26: {  	[smem:$0x3F99] =	sst s1;
	(tag) =	ssettag s2;
	_ =	strace s9  }
0x27: {  	s1 =	sld [smem:$0x3FA9]  }
0x28: {  	s2 =	sld [smem:$0x3FAA]  }
0x29: {  	s4 =	sld [smem:$0x3FAC]  }
0x2a: {  	p0 =	seq.s32 s5, $0x0;
	s5 =	sld [smem:$0x3FAD]  }
0x2b: {  	s6 =	sld [smem:$0x3FAE]  }
0x2c: {  	s7 =	sld [smem:$0x3FAF]  }
0x2d: {  	s3 =	simm.s32 $0x108;
	s8 =	sld [smem:$0x3FB0]  }
0x2e: {  	s3 =	simm.s32 @!p0 $0x1082;
	s9 =	sld [smem:$0x3FB1]  }
0x2f: {  	lr =	sadd.s32 s0, s3;
	s0 =	sld [smem:$0x3FA8]  }
0x30: {  	s3 =	sld [smem:$0x3FAB]  }
0x31: {  	[smem:$0x3FB4] =	sst s10  }
0x32: {  	s10 =	sld [smem:$0x3FB2];
	_ =	sdelay $0x3  }
0x33: {  	p0 =	seq.s32 s10, $0x1;
	s10 =	sld [smem:$0x3FB4];
	_ =	sdelay $0x3  }
0x34: {  	[smem:$0x3FB4] =	sst s10  }
0x35: {  	s10 =	sld [smem:$0x3FB3];
	_ =	sdelay $0x3  }
0x36: {  	p1 =	seq.s32 s10, $0x1;
	s10 =	sld [smem:$0x3FB4];
	_ =	sdelay $0x3  }
0x37: {  	[smem:$0x3FB4] =	sst s10  }
0x38: {  	s10 =	sld [smem:$0x3FB5]  }
0x39: {  	_ = 	snop;
	(pc) =	sbr.ind lr, $3  }
0x3a: {  	_ = 	snop  }
0x3b: {  	_ = 	snop  }
0x3c: {  	p2 =	seq.s32 s10, $0x1;
	s10 =	sld [smem:$0x3FB4]  }
0x3d: {  	_ =	shalt  }
0x3e: {  	_ =	shalt  }
0x3f: {  	_ =	shalt  }
0x40: {  	_ =	shalt  }
0x41: {  	_ =	shalt  }
0x42: {  	_ =	shalt  }
0x43: {  	_ =	shalt  }
0x44: {  	_ =	shalt  }
0x45: {  	_ =	shalt  }
0x46: {  	_ =	shalt  }
0x47: {  	_ =	shalt  }
0x48: {  	_ =	shalt  }
0x49: {  	_ =	shalt  }
0x4a: {  	_ =	shalt  }
0x4b: {  	_ =	shalt  }
0x4c: {  	_ =	shalt  }
0x4d: {  	_ =	shalt  }
0x4e: {  	_ =	shalt  }
0x4f: {  	_ =	shalt  }
0x50: {  	_ =	shalt  }
0x51: {  	_ =	shalt  }
0x52: {  	_ =	shalt  }
0x53: {  	_ =	shalt  }
0x54: {  	_ =	shalt  }
0x55: {  	_ =	shalt  }
0x56: {  	_ =	shalt  }
0x57: {  	_ =	shalt  }
0x58: {  	_ =	shalt  }
0x59: {  	_ =	shalt  }
0x5a: {  	_ =	shalt  }
0x5b: {  	_ =	shalt  }
0x5c: {  	_ =	shalt  }
0x5d: {  	_ =	shalt  }
0x5e: {  	_ =	shalt  }
0x5f: {  	_ =	shalt  }
0x60: {  	_ =	shalt  }
0x61: {  	_ =	shalt  }
0x62: {  	_ =	shalt  }
0x63: {  	_ =	shalt  }
0x64: {  	_ =	shalt  }
0x65: {  	_ =	shalt  }
0x66: {  	_ =	shalt  }
0x67: {  	_ =	shalt  }
0x68: {  	_ =	shalt  }
0x69: {  	_ =	shalt  }
0x6a: {  	_ =	shalt  }
0x6b: {  	_ =	shalt  }
0x6c: {  	_ =	shalt  }
0x6d: {  	_ =	shalt  }
0x6e: {  	_ =	shalt  }
0x6f: {  	_ =	shalt  }
0x70: {  	_ =	shalt  }
0x71: {  	_ =	shalt  }
0x72: {  	_ =	shalt  }
0x73: {  	_ =	shalt  }
0x74: {  	_ =	shalt  }
0x75: {  	_ =	shalt  }
0x76: {  	_ =	shalt  }
0x77: {  	_ =	shalt  }
0x78: {  	_ =	shalt  }
0x79: {  	_ =	shalt  }
0x7a: {  	_ =	shalt  }
0x7b: {  	_ =	shalt  }
0x7c: {  	_ =	shalt  }
0x7d: {  	_ =	shalt  }
0x7e: {  	_ =	shalt  }
0x7f: {  	_ =	shalt  }
0x80: {  	_ =	shalt  }
0x81: {  	_ =	shalt  }
0x82: {  	_ =	shalt  }
0x83: {  	_ =	shalt  }
0x84: {  	_ =	shalt  }
0x85: {  	_ =	shalt  }
0x86: {  	_ =	shalt  }
0x87: {  	_ =	shalt  }
.Lfunc_end0:
.L_simem_size_0:
called_computation_lowered:
.L_overlay_start_0:
0x88: {  	s2 =	sld [smem:$0x3FD9]  }
0x89: {  	s3 =	sld [smem:$0x3FFE];
	_ =	sdelay $0x1  }
0x8a: {  	s1 =	srdreg.scid  }
0x8b: {  	s0 =	sand.u32 $0x1, s1  }
0x8c: {  	s17 =	sshll.u32 s0, $0xA;
	s2 =	sadd.s32 s3, s2  }
0x8d: {  	s2 =	sadd.s32 s2, s17  }
0x8e: {  	[smem:$0x3FC0] =	sst s2  }
0x8f: {  	_ = 	snop  }
0x90: {  	s2 =	sld [smem:$0x3FD0];
	(tm) =	ssettm $0x1  }
0x91: {  	s18 =	sld [smem:$0x3FFB];
	_ =	sdelay $0x3  }
0x92: {  	_ =	strace s18  }
0x93: {  	s3 =	sld [smem:$0x3FFC];
	_ =	sdelay $0x3  }
0x94: {  	_ =	strace s3  }
0x95: {  	s3 =	sld [smem:$0x3FFD];
	_ =	sdelay $0x3  }
0x96: {  	_ =	strace s3  }
0x97: {  	_ =	strace $0x8FFFFFFF  }
0x98: {  	s19 =	sld [smem:$0x3FDB];
	_ =	sdelay $0x1  }
0x99: {  	s4 =	simm.s32 $_scs_section_size  }
0x9a: {  	s5 =	simm.s32 $_size__tile_overlayer_lowered;
	s6 =	simm.s32 $_tile_overlayer_lowered  }
0x9b: {  	s22 =	simm.s32 $0x1BFF;
	s21 =	sshll.u32 s6, $0x1;
	s3 =	sadd.s32 s4, s19  }
0x9c: {  	s7 =	simm.s32 $0x0;
	s20 =	sshll.u32 s5, $0x1;
	s5 =	sadd.s32 s21, s3  }
0x9d: {  	[timem:s7], [sflag:s22] =	dma.local [hbm:s5], s20  }
0x9e: {  	_ =	swait.ge [sflag:s22], s20  }
0x9f: {  	s4 =	ssub.s32 $0x0, s20;
	[sflag:s22] =	ssyncset.done $0x0  }
0xa0: {  	[sflag:s22] =	ssyncadd.s32 s4;
	_ =	sdelay $0x1  }
0xa1: {  	s23 =	simm.s32 $0x1B8B  }
0xa2: {  	_ =	swait.ge [sflag:s23], $0x1  }
0xa3: {  	[sflag:s23] =	ssyncset.done $0x0  }
0xa4: {  	s25 =	simm.s32 $0x1B8E;
	s24 =	sld [smem:$0x3FFE];
	[sflag:s23] =	ssyncadd.s32 $0xFFFFFFFF  }
0xa5: {  	s26 =	simm.s32 $execute0_lowered;
	[smem:$0x3FD2] =	sst s25  }
0xa6: {  	s5 =	sshll.u32 s26, $0x1;
	_ =	strace $0x80000046;
	[dreg:$0x1] =	wrdreg $0xFFFFFFFF  }
0xa7: {  	s28 =	simm.s32 $_size_execute0_lowered;
	s3 =	sadd.s32 s3, s5;
	[dreg:$0x0] =	wrdreg $0x0  }
0xa8: {  	s5 =	sshll.u32 s28, $0x1;
	[dreg:$0x2] =	wrdreg s3  }
0xa9: {  	[dreg:$0x3] =	wrdreg s5  }
0xaa: {  	[dreg:$0x4] =	wrdreg $0xC0  }
0xab: {  	_ =	task [dreg:s7], $0x5FFFF  }
0xac: {  	[dreg:$0x1] =	wrdreg $0xFFFFFFFF  }
0xad: {  	[dreg:$0x0] =	wrdreg $0x60  }
0xae: {  	[dreg:$0x2] =	wrdreg s2  }
0xaf: {  	[dreg:$0x3] =	wrdreg s24  }
0xb0: {  	[dreg:$0x4] =	wrdreg $0x0  }
0xb1: {  	[dreg:$0x5] =	wrdreg $0x9  }
0xb2: {  	_ =	task.clear_ibuf [dreg:s7], $0x6FFFF;
	_ =	strace $0x90000046  }
0xb3: {  	s29 =	simm.s32 $0x9;
	_ =	strace $0x80000048  }
0xb4: {  	_ =	swait.ge [sflag:s29], $0x1  }
0xb5: {  	[sflag:s29] =	ssyncadd.s32 $0xFFFFFFFF  }
0xb6: {  	_ =	strace $0x90000048  }
0xb7: {  	_ =	sfence  }
0xb8: {  	s30 =	sld [smem:$0x0];
	_ =	sdelay $0x2  }
0xb9: {  	s31 =	sshll.u32 s1, $0xD;
	s1 =	sshrl.u32 s1, $0x2  }
0xba: {  	s3 =	sand.u32 $0x4000, s31;
	s1 =	sadd.s32 s1, s30  }
0xbb: {  	s0 =	sor.u32 s3, s0;
	s1 =	sshll.u32 s1, $0x11  }
0xbc: {  	s0 =	sor.u32 s1, s0  }
0xbd: {  	s0 =	sadd.s32 $0x8F2B, s0  }
0xbe: {  	[sflag:s0] =	ssyncadd.remote.s32 $0x1  }
0xbf: {  	_ =	sfence.sel $0xFFFF  }
0xc0: {  	[dreg:$0x0] =	wrdreg $0xFFFFFFFF;
	(pc) =	sbr.abs _section_cstart, $3  }
0xc1: {  	[dreg:$0x1] =	wrdreg $0xFFFFFFFF  }
0xc2: {  	_ =	task.clear_ibuf [dreg:s7], $0x2FFFF;
	_ =	strace $0x9FFFFFFF  }
0xc3: {  	(tm) =	ssettm $0x7FFFFFFF  }
tec
execute0_lowered:
.L_overlay_start_1:
0x0: {  	(tag) =	ssettag $0x1  }
0x1: {  	s1 =	rddreg [dreg:$0x0];
	s0 =	srdreg.scid  }
0x2: {  	s2 =	rddreg [dreg:$0x1];
	s18 =	stileid.u32;
	s3 =	sand.u32 $0x1, s0  }
0x3: {  	s4 =	sadd.s32 $0x1000, s2;
	s5 =	sshll.u32 s18, $0xA;
	s2 =	sadd.s32 $0x9000, s2  }
0x4: {  	s0 =	ssub.s32 $0x2, s3;
	s6 =	sshll.u32 s3, $0x11;
	s7 =	sshll.u32 s3, $0x3  }
0x5: {  	s8 =	sshrl.u32 s0, $0x1;
	s6 =	sor.u32 s5, s6;
	s9 =	sor.u32 $0x1, s7  }
0x6: {  	s22 =	sor.u32 $0x5, s7;
	s0 =	ssub.s32 s0, s8;
	s6 =	sshrl.u32 s6, $0x3  }
0x7: {  	s13 =	sshll.u32 s9, $0xE;
	s23 =	sshll.u32 s22, $0xE;
	s10 =	sadd.s32 s1, s6  }
0x8: {  	s8 =	sor.u32 s5, s13;
	s6 =	sadd.s32 s4, s6;
	s30 =	smax.u32 s0, $0x1  }
0x9: {  	[dreg:$0x4] =	wrdreg s10;
	s10 =	sor.u32 $0x2, s7;
	s14 =	sshrl.u32 s8, $0x3  }
0xa: {  	[dreg:$0x5] =	wrdreg s6;
	s15 =	sshll.u32 s10, $0xE;
	s11 =	sadd.s32 s1, s14  }
0xb: {  	s6 =	sadd.s32 s4, s14;
	s10 =	sshll.u32 s10, $0x14;
	[dreg:$0x6] =	wrdreg s11  }
0xc: {  	s8 =	sor.u32 s5, s15;
	s11 =	sor.u32 $0x3, s7;
	[dreg:$0x7] =	wrdreg s6  }
0xd: {  	s15 =	sshllo.u32 s3, $0x3;
	s16 =	sshrl.u32 s8, $0x3;
	s17 =	sshll.u32 s11, $0xE  }
0xe: {  	s12 =	sadd.s32 s1, s16;
	s8 =	sor.u32 s5, s17;
	s6 =	sadd.s32 s4, s16  }
0xf: {  	s16 =	sshll.u32 s15, $0xE;
	s17 =	simm.s32 $0x0;
	[dreg:$0x8] =	wrdreg s12  }
0x10: {  	s12 =	sor.u32 $0x4, s7;
	[dreg:$0x9] =	wrdreg s6;
	s19 =	sshrl.u32 s8, $0x3  }
0x11: {  	s7 =	sor.u32 $0x6, s7;
	[smem:$0x7FF] =	sst s17;
	s13 =	sadd.s32 s1, s19  }
0x12: {  	s8 =	simm.s32 $0x16C00;
	s6 =	sadd.s32 s4, s19;
	[dreg:$0xa] =	wrdreg s13  }
0x13: {  	s20 =	sshll.u32 s12, $0xE;
	s14 =	sshll.u32 s7, $0xE;
	[dreg:$0xb] =	wrdreg s6  }
0x14: {  	s21 =	sor.u32 s5, s20;
	s13 =	sor.u32 s5, s23;
	s14 =	sor.u32 s5, s14  }
0x15: {  	s5 =	sor.u32 s5, s16;
	s16 =	sshll.u32 s12, $0x14;
	s23 =	sshll.u32 s7, $0x14  }
0x16: {  	s7 =	simm.s32 $0x14C00;
	s12 =	simm.s32 $0x17400;
	s6 =	sshrl.u32 s21, $0x3  }
0x17: {  	s13 =	sshrl.u32 s13, $0x3;
	s25 =	sshrl.u32 s14, $0x3;
	s24 =	sadd.s32 s1, s6  }
0x18: {  	s5 =	sshrl.u32 s5, $0x3;
	s6 =	sadd.s32 s4, s6;
	[dreg:$0xc] =	wrdreg s24  }
0x19: {  	s14 =	sshll.u32 s11, $0x14;
	s26 =	sadd.s32 s1, s13;
	[dreg:$0xd] =	wrdreg s6  }
0x1a: {  	s21 =	sshll.u32 s22, $0x14;
	s13 =	sadd.s32 s4, s13;
	[dreg:$0xe] =	wrdreg s26  }
0x1b: {  	s11 =	simm.s32 $0x15400;
	s28 =	sadd.s32 s1, s25;
	[dreg:$0xf] =	wrdreg s13  }
0x1c: {  	s1 =	sadd.s32 s1, s5;
	[dreg:$0x10] =	wrdreg s28;
	s6 =	sadd.s32 s4, s25  }
0x1d: {  	[dreg:$0x12] =	wrdreg s1;
	s4 =	sadd.s32 s4, s5;
	s5 =	sshll.u32 s3, $0x17  }
0x1e: {  	s3 =	sshll.u32 s18, $0x10;
	s24 =	sshll.u32 s15, $0x14;
	[dreg:$0x11] =	wrdreg s6  }
0x1f: {  	s15 =	simm.s32 $0x15C00;
	[dreg:$0x13] =	wrdreg s4;
	s1 =	sor.u32 s3, s5  }
0x20: {  	s6 =	sshll.u32 s9, $0x14;
	s13 =	sor.u32 s3, s10;
	s19 =	sor.u32 s3, s16  }
0x21: {  	s22 =	sor.u32 s3, s21;
	s26 =	sor.u32 s3, s24;
	s5 =	simm.s32 $0x14800  }
0x22: {  	s10 =	simm.s32 $0x17000;
	s16 =	simm.s32 $0x17C00;
	s21 =	simm.s32 $0x400  }
0x23: {  	s1 =	sshrl.u32 s1, $0x3;
	s4 =	sor.u32 s3, s6;
	s20 =	sshrl.u32 s19, $0x3  }
0x24: {  	s28 =	sshrl.u32 s26, $0x3;
	s26 =	rddreg [dreg:$0x2];
	s6 =	simm.s32 $0x16800  }
0x25: {  	s19 =	simm.s32 $0x10000;
	s1 =	sadd.s32 s2, s1;
	s9 =	sshrl.u32 s4, $0x3  }
0x26: {  	s4 =	sor.u32 s3, s14;
	s29 =	sadd.s32 s3, s26;
	s14 =	simm.s32 $0x17800  }
0x27: {  	[dreg:$0x14] =	wrdreg s1;
	s1 =	sadd.s32 s2, s9;
	s18 =	sshrl.u32 s4, $0x3  }
0x28: {  	s4 =	sor.u32 s3, s23;
	[dreg:$0x15] =	wrdreg s1;
	s1 =	sshrl.u32 s13, $0x3  }
0x29: {  	s31 =	sadd.s32 $0x4000, s29;
	s24 =	sadd.s32 $0x8000, s29;
	s1 =	sadd.s32 s2, s1  }
0x2a: {  	s0 =	sadd.s32 $0xC000, s29;
	[dreg:$0x16] =	wrdreg s1;
	s1 =	sadd.s32 s2, s18  }
0x2b: {  	s3 =	simm.s32 $0x14400;
	[dreg:$0x17] =	wrdreg s1;
	s1 =	sadd.s32 s2, s20  }
0x2c: {  	s9 =	simm.s32 $0x15000;
	[dreg:$0x18] =	wrdreg s1;
	s1 =	sshrl.u32 s22, $0x3  }
0x2d: {  	s23 =	simm.s32 $0x0;
	s25 =	sshrl.u32 s4, $0x3;
	s1 =	sadd.s32 s2, s1  }
0x2e: {  	s4 =	simm.s32 $0x16400;
	[dreg:$0x19] =	wrdreg s1;
	s1 =	sadd.s32 s2, s25  }
0x2f: {  	s13 =	simm.s32 $0x15800;
	[dreg:$0x1a] =	wrdreg s1;
	s1 =	sadd.s32 s2, s28  }
0x30: {  	s18 =	simm.s32 $0x1;
	s20 =	simm.s32 $0x2;
	[dreg:$0x1b] =	wrdreg s1  }
0x31: {  	v0 =	vimm.f32 $-2.302585030e+01;
	s22 =	simm.s32 $0x3;
	s2 =	simm.s32 $0x16000;
	_ =	strace $0x80000047  }
.LBB2_1:
0x32: {  	s28 =	simm.s32 $0x100;
	s25 =	simm.s32 $0x0  }
.LBB2_2:
0x33: {  	p0 =	sne.s32 s28, $0xFF00;
	[tilespmem:s25+$0x10030] =	vst v0;
	s1 =	smov.u32 s28;
	s28 =	sadd.s32 $0x100, s28  }
.Ltmp0:
0x34: {  	[tilespmem:s25+$0x10020] =	vst v0;
	(pc) =	sbr.rel @p0 .LBB2_2-.Ltmp0, $3  }
0x35: {  	[tilespmem:s25+$0x10000] =	vst v0  }
0x36: {  	[tilespmem:s25+$0x10010] =	vst v0;
	_ =	sdelay $0x1  }
0x37: {  	s25 =	sshra.s32 s1, $0x2  }
0x38: {  	[tilespmem:s25+$0x10030] =	vst v0  }
0x39: {  	[tilespmem:s25+$0x10020] =	vst v0  }
0x3a: {  	[tilespmem:s25+$0x10000] =	vst v0  }
0x3b: {  	[tilespmem:s25+$0x10010] =	vst v0;
	s1 =	rddreg [dreg:$0x4];
	s25 =	simm.s32 $0x14000  }
0x3c: {  	[tilespmem:s25], [sflag:$0x1] =	stream.linear.gather [hbm4b:s1+s17], $0x400, $0x38;
	[tilespmem:$0x18000] =	vst v63  }
0x3d: {  	s28 =	rddreg [dreg:$0x5]  }
0x3e: {  	[tilespmem:s2], [sflag:$0x1] =	stream.linear.gather [hbm4b:s28+s17], $0x400, $0x38;
	[tilespmem:$0x18000] =	vst v63  }
0x3f: {  	s28 =	rddreg [dreg:$0x6]  }
0x40: {  	[tilespmem:s3], [sflag:$0x1] =	stream.linear.gather [hbm4b:s28+s17], $0x400, $0x38;
	[tilespmem:$0x18000] =	vst v63  }
0x41: {  	s28 =	rddreg [dreg:$0x7]  }
0x42: {  	[tilespmem:s4], [sflag:$0x1] =	stream.linear.gather [hbm4b:s28+s17], $0x400, $0x38;
	[tilespmem:$0x18000] =	vst v63  }
0x43: {  	s28 =	rddreg [dreg:$0x8]  }
0x44: {  	[tilespmem:s5], [sflag:$0x1] =	stream.linear.gather [hbm4b:s28+s17], $0x400, $0x38;
	[tilespmem:$0x18000] =	vst v63  }
0x45: {  	s28 =	rddreg [dreg:$0x9]  }
0x46: {  	[tilespmem:s6], [sflag:$0x1] =	stream.linear.gather [hbm4b:s28+s17], $0x400, $0x38;
	[tilespmem:$0x18000] =	vst v63  }
0x47: {  	s28 =	rddreg [dreg:$0xa]  }
0x48: {  	[tilespmem:s7], [sflag:$0x1] =	stream.linear.gather [hbm4b:s28+s17], $0x400, $0x38;
	[tilespmem:$0x18000] =	vst v63  }
0x49: {  	s28 =	rddreg [dreg:$0xb]  }
0x4a: {  	[tilespmem:s8], [sflag:$0x1] =	stream.linear.gather [hbm4b:s28+s17], $0x400, $0x38;
	[tilespmem:$0x18000] =	vst v63  }
0x4b: {  	s28 =	rddreg [dreg:$0xc]  }
0x4c: {  	[tilespmem:s9], [sflag:$0x1] =	stream.linear.gather [hbm4b:s28+s17], $0x400, $0x38;
	[tilespmem:$0x18000] =	vst v63  }
0x4d: {  	s28 =	rddreg [dreg:$0xd]  }
0x4e: {  	[tilespmem:s10], [sflag:$0x1] =	stream.linear.gather [hbm4b:s28+s17], $0x400, $0x38;
	[tilespmem:$0x18000] =	vst v63  }
0x4f: {  	s28 =	rddreg [dreg:$0xe]  }
0x50: {  	[tilespmem:s11], [sflag:$0x1] =	stream.linear.gather [hbm4b:s28+s17], $0x400, $0x38;
	[tilespmem:$0x18000] =	vst v63  }
0x51: {  	s28 =	rddreg [dreg:$0xf]  }
0x52: {  	[tilespmem:s12], [sflag:$0x1] =	stream.linear.gather [hbm4b:s28+s17], $0x400, $0x38;
	[tilespmem:$0x18000] =	vst v63  }
0x53: {  	s28 =	rddreg [dreg:$0x10]  }
0x54: {  	[tilespmem:s13], [sflag:$0x1] =	stream.linear.gather [hbm4b:s28+s17], $0x400, $0x38;
	[tilespmem:$0x18000] =	vst v63  }
0x55: {  	s28 =	rddreg [dreg:$0x11]  }
0x56: {  	[tilespmem:s14], [sflag:$0x1] =	stream.linear.gather [hbm4b:s28+s17], $0x400, $0x38;
	[tilespmem:$0x18000] =	vst v63  }
0x57: {  	s28 =	rddreg [dreg:$0x12]  }
0x58: {  	[tilespmem:s15], [sflag:$0x1] =	stream.linear.gather [hbm4b:s28+s17], $0x400, $0x38;
	[tilespmem:$0x18000] =	vst v63  }
0x59: {  	s28 =	rddreg [dreg:$0x13]  }
0x5a: {  	[tilespmem:s16], [sflag:$0x1] =	stream.linear.gather [hbm4b:s28+s17], $0x400, $0x38;
	[tilespmem:$0x18000] =	vst v63  }
0x5b: {  	_ =	swait.ge [sflag:s18], $0x400  }
0x5c: {  	[sflag:s18] =	ssyncset.done $0x0  }
0x5d: {  	[sflag:s18] =	ssyncadd.s32 $0xFFFFFC00  }
0x5e: {  	_ =	swait.ge [sflag:s18], $0x400  }
0x5f: {  	[sflag:s18] =	ssyncset.done $0x0  }
0x60: {  	[sflag:s18] =	ssyncadd.s32 $0xFFFFFC00  }
0x61: {  	_ =	swait.ge [sflag:s18], $0x400  }
0x62: {  	[sflag:s18] =	ssyncset.done $0x0  }
0x63: {  	[sflag:s18] =	ssyncadd.s32 $0xFFFFFC00  }
0x64: {  	_ =	swait.ge [sflag:s18], $0x400  }
0x65: {  	[sflag:s18] =	ssyncset.done $0x0  }
0x66: {  	[sflag:s18] =	ssyncadd.s32 $0xFFFFFC00  }
0x67: {  	_ =	swait.ge [sflag:s18], $0x400  }
0x68: {  	[sflag:s18] =	ssyncset.done $0x0  }
0x69: {  	[sflag:s18] =	ssyncadd.s32 $0xFFFFFC00  }
0x6a: {  	_ =	swait.ge [sflag:s18], $0x400  }
0x6b: {  	[sflag:s18] =	ssyncset.done $0x0  }
0x6c: {  	[sflag:s18] =	ssyncadd.s32 $0xFFFFFC00  }
0x6d: {  	_ =	swait.ge [sflag:s18], $0x400  }
0x6e: {  	[sflag:s18] =	ssyncset.done $0x0  }
0x6f: {  	[sflag:s18] =	ssyncadd.s32 $0xFFFFFC00  }
0x70: {  	_ =	swait.ge [sflag:s18], $0x400  }
0x71: {  	[sflag:s18] =	ssyncset.done $0x0  }
0x72: {  	[sflag:s18] =	ssyncadd.s32 $0xFFFFFC00  }
0x73: {  	_ =	swait.ge [sflag:s18], $0x400  }
0x74: {  	[sflag:s18] =	ssyncset.done $0x0  }
0x75: {  	[sflag:s18] =	ssyncadd.s32 $0xFFFFFC00  }
0x76: {  	_ =	swait.ge [sflag:s18], $0x400  }
0x77: {  	[sflag:s18] =	ssyncset.done $0x0  }
0x78: {  	[sflag:s18] =	ssyncadd.s32 $0xFFFFFC00  }
0x79: {  	_ =	swait.ge [sflag:s18], $0x400  }
0x7a: {  	[sflag:s18] =	ssyncset.done $0x0  }
0x7b: {  	[sflag:s18] =	ssyncadd.s32 $0xFFFFFC00  }
0x7c: {  	_ =	swait.ge [sflag:s18], $0x400  }
0x7d: {  	[sflag:s18] =	ssyncset.done $0x0  }
0x7e: {  	[sflag:s18] =	ssyncadd.s32 $0xFFFFFC00  }
0x7f: {  	_ =	swait.ge [sflag:s18], $0x400  }
0x80: {  	[sflag:s18] =	ssyncset.done $0x0  }
0x81: {  	[sflag:s18] =	ssyncadd.s32 $0xFFFFFC00  }
0x82: {  	_ =	swait.ge [sflag:s18], $0x400  }
0x83: {  	[sflag:s18] =	ssyncset.done $0x0  }
0x84: {  	[sflag:s18] =	ssyncadd.s32 $0xFFFFFC00  }
0x85: {  	_ =	swait.ge [sflag:s18], $0x400  }
0x86: {  	[sflag:s18] =	ssyncset.done $0x0  }
0x87: {  	[sflag:s18] =	ssyncadd.s32 $0xFFFFFC00  }
0x88: {  	_ =	swait.ge [sflag:s18], $0x400  }
0x89: {  	[sflag:s18] =	ssyncset.done $0x0  }
0x8a: {  	[sflag:s18] =	ssyncadd.s32 $0xFFFFFC00  }
0x8b: {  	[spmem:s29] =	stream.linear.scatter [tilespmem:s19], [sflag:$0x2], $0x4000, $0x38;
	[tilespmem:$0x18000] =	vst v63  }
0x8c: {  	_ = 	snop  }
0x8d: {  	[spmem:s31] =	stream.linear.scatter [tilespmem:s19], [sflag:$0x2], $0x4000, $0x38;
	[tilespmem:$0x18000] =	vst v63  }
0x8e: {  	_ = 	snop  }
0x8f: {  	[spmem:s24] =	stream.linear.scatter [tilespmem:s19], [sflag:$0x2], $0x4000, $0x38;
	[tilespmem:$0x18000] =	vst v63  }
0x90: {  	_ = 	snop  }
0x91: {  	[spmem:s0] =	stream.linear.scatter [tilespmem:s19], [sflag:$0x2], $0x4000, $0x38;
	[tilespmem:$0x18000] =	vst v63  }
0x92: {  	_ =	swait.ge [sflag:s20], $0x4000  }
0x93: {  	[sflag:s20] =	ssyncset.done $0x0  }
0x94: {  	[sflag:s20] =	ssyncadd.s32 $0xFFFFC000  }
0x95: {  	_ =	swait.ge [sflag:s20], $0x4000  }
0x96: {  	[sflag:s20] =	ssyncset.done $0x0  }
0x97: {  	[sflag:s20] =	ssyncadd.s32 $0xFFFFC000  }
0x98: {  	_ =	swait.ge [sflag:s20], $0x4000  }
0x99: {  	[sflag:s20] =	ssyncset.done $0x0  }
0x9a: {  	[sflag:s20] =	ssyncadd.s32 $0xFFFFC000  }
0x9b: {  	_ =	swait.ge [sflag:s20], $0x4000  }
0x9c: {  	[sflag:s20] =	ssyncset.done $0x0  }
0x9d: {  	[sflag:s20] =	ssyncadd.s32 $0xFFFFC000  }
0x9e: {  	[bflag:$0x0] =	sbarrier.arrive $0xFFFF  }
0x9f: {  	[spmem:s26] =	stream.indirect.scatter [tilespmem:s2], [sflag:$0x2], $0x1, s25, s21, $0xb8;
	[tilespmem:$0x18000] =	vst v63  }
0xa0: {  	_ =	swait.ge [sflag:s20], $0x400  }
0xa1: {  	[sflag:s20] =	ssyncset.done $0x0  }
0xa2: {  	s28 =	stileid.u32;
	[sflag:s20] =	ssyncadd.s32 $0xFFFFFC00  }
0xa3: {  	s1 =	sshll.u32 s28, $0x6;
	[bflag:$0x0] =	sbarrier.arrive $0xFFFF  }
0xa4: {  	s28 =	sshrl.u32 s29, $0x3;
	s25 =	sor.u32 $0x1C03, s1;
	s1 =	rddreg [dreg:$0x14]  }
0xa5: {  	[hbm:s1], [sflag:s25] =	dma.local [spmem:s28], $0x2000  }
0xa6: {  	_ =	swait.ge [sflag:s22], $0x2000  }
0xa7: {  	[sflag:s22] =	ssyncset.done $0x0  }
0xa8: {  	[sflag:s22] =	ssyncadd.s32 $0xFFFFE000  }
0xa9: {  	[spmem:s29] =	stream.linear.scatter [tilespmem:s19], [sflag:$0x2], $0x4000, $0x38;
	[tilespmem:$0x18000] =	vst v63  }
0xaa: {  	_ = 	snop  }
0xab: {  	[spmem:s31] =	stream.linear.scatter [tilespmem:s19], [sflag:$0x2], $0x4000, $0x38;
	[tilespmem:$0x18000] =	vst v63  }
0xac: {  	_ = 	snop  }
0xad: {  	[spmem:s24] =	stream.linear.scatter [tilespmem:s19], [sflag:$0x2], $0x4000, $0x38;
	[tilespmem:$0x18000] =	vst v63  }
0xae: {  	_ = 	snop  }
0xaf: {  	[spmem:s0] =	stream.linear.scatter [tilespmem:s19], [sflag:$0x2], $0x4000, $0x38;
	[tilespmem:$0x18000] =	vst v63  }
0xb0: {  	_ =	swait.ge [sflag:s20], $0x4000  }
0xb1: {  	[sflag:s20] =	ssyncset.done $0x0  }
0xb2: {  	[sflag:s20] =	ssyncadd.s32 $0xFFFFC000  }
0xb3: {  	_ =	swait.ge [sflag:s20], $0x4000  }
0xb4: {  	[sflag:s20] =	ssyncset.done $0x0  }
0xb5: {  	[sflag:s20] =	ssyncadd.s32 $0xFFFFC000  }
0xb6: {  	_ =	swait.ge [sflag:s20], $0x4000  }
0xb7: {  	[sflag:s20] =	ssyncset.done $0x0  }
0xb8: {  	[sflag:s20] =	ssyncadd.s32 $0xFFFFC000  }
0xb9: {  	_ =	swait.ge [sflag:s20], $0x4000  }
0xba: {  	[sflag:s20] =	ssyncset.done $0x0  }
0xbb: {  	[sflag:s20] =	ssyncadd.s32 $0xFFFFC000  }
0xbc: {  	[bflag:$0x0] =	sbarrier.arrive $0xFFFF  }
0xbd: {  	[spmem:s26] =	stream.indirect.scatter [tilespmem:s4], [sflag:$0x2], $0x1, s3, s21, $0xb8;
	[tilespmem:$0x18000] =	vst v63  }
0xbe: {  	_ =	swait.ge [sflag:s20], $0x400  }
0xbf: {  	[sflag:s20] =	ssyncset.done $0x0  }
0xc0: {  	[sflag:s20] =	ssyncadd.s32 $0xFFFFFC00  }
0xc1: {  	[bflag:$0x0] =	sbarrier.arrive $0xFFFF  }
0xc2: {  	s1 =	rddreg [dreg:$0x15]  }
0xc3: {  	[hbm:s1], [sflag:s25] =	dma.local [spmem:s28], $0x2000  }
0xc4: {  	_ =	swait.ge [sflag:s22], $0x2000  }
0xc5: {  	[sflag:s22] =	ssyncset.done $0x0  }
0xc6: {  	[sflag:s22] =	ssyncadd.s32 $0xFFFFE000  }
0xc7: {  	[spmem:s29] =	stream.linear.scatter [tilespmem:s19], [sflag:$0x2], $0x4000, $0x38;
	[tilespmem:$0x18000] =	vst v63  }
0xc8: {  	_ = 	snop  }
0xc9: {  	[spmem:s31] =	stream.linear.scatter [tilespmem:s19], [sflag:$0x2], $0x4000, $0x38;
	[tilespmem:$0x18000] =	vst v63  }
0xca: {  	_ = 	snop  }
0xcb: {  	[spmem:s24] =	stream.linear.scatter [tilespmem:s19], [sflag:$0x2], $0x4000, $0x38;
	[tilespmem:$0x18000] =	vst v63  }
0xcc: {  	_ = 	snop  }
0xcd: {  	[spmem:s0] =	stream.linear.scatter [tilespmem:s19], [sflag:$0x2], $0x4000, $0x38;
	[tilespmem:$0x18000] =	vst v63  }
0xce: {  	_ =	swait.ge [sflag:s20], $0x4000  }
0xcf: {  	[sflag:s20] =	ssyncset.done $0x0  }
0xd0: {  	[sflag:s20] =	ssyncadd.s32 $0xFFFFC000  }
0xd1: {  	_ =	swait.ge [sflag:s20], $0x4000  }
0xd2: {  	[sflag:s20] =	ssyncset.done $0x0  }
0xd3: {  	[sflag:s20] =	ssyncadd.s32 $0xFFFFC000  }
0xd4: {  	_ =	swait.ge [sflag:s20], $0x4000  }
0xd5: {  	[sflag:s20] =	ssyncset.done $0x0  }
0xd6: {  	[sflag:s20] =	ssyncadd.s32 $0xFFFFC000  }
0xd7: {  	_ =	swait.ge [sflag:s20], $0x4000  }
0xd8: {  	[sflag:s20] =	ssyncset.done $0x0  }
0xd9: {  	[sflag:s20] =	ssyncadd.s32 $0xFFFFC000  }
0xda: {  	[bflag:$0x0] =	sbarrier.arrive $0xFFFF  }
0xdb: {  	[spmem:s26] =	stream.indirect.scatter [tilespmem:s6], [sflag:$0x2], $0x1, s5, s21, $0xb8;
	[tilespmem:$0x18000] =	vst v63  }
0xdc: {  	_ =	swait.ge [sflag:s20], $0x400  }
0xdd: {  	[sflag:s20] =	ssyncset.done $0x0  }
0xde: {  	[sflag:s20] =	ssyncadd.s32 $0xFFFFFC00  }
0xdf: {  	[bflag:$0x0] =	sbarrier.arrive $0xFFFF  }
0xe0: {  	s1 =	rddreg [dreg:$0x16]  }
0xe1: {  	[hbm:s1], [sflag:s25] =	dma.local [spmem:s28], $0x2000  }
0xe2: {  	_ =	swait.ge [sflag:s22], $0x2000  }
0xe3: {  	[sflag:s22] =	ssyncset.done $0x0  }
0xe4: {  	[sflag:s22] =	ssyncadd.s32 $0xFFFFE000  }
0xe5: {  	[spmem:s29] =	stream.linear.scatter [tilespmem:s19], [sflag:$0x2], $0x4000, $0x38;
	[tilespmem:$0x18000] =	vst v63  }
0xe6: {  	_ = 	snop  }
0xe7: {  	[spmem:s31] =	stream.linear.scatter [tilespmem:s19], [sflag:$0x2], $0x4000, $0x38;
	[tilespmem:$0x18000] =	vst v63  }
0xe8: {  	_ = 	snop  }
0xe9: {  	[spmem:s24] =	stream.linear.scatter [tilespmem:s19], [sflag:$0x2], $0x4000, $0x38;
	[tilespmem:$0x18000] =	vst v63  }
0xea: {  	_ = 	snop  }
0xeb: {  	[spmem:s0] =	stream.linear.scatter [tilespmem:s19], [sflag:$0x2], $0x4000, $0x38;
	[tilespmem:$0x18000] =	vst v63  }
0xec: {  	_ =	swait.ge [sflag:s20], $0x4000  }
0xed: {  	[sflag:s20] =	ssyncset.done $0x0  }
0xee: {  	[sflag:s20] =	ssyncadd.s32 $0xFFFFC000  }
0xef: {  	_ =	swait.ge [sflag:s20], $0x4000  }
0xf0: {  	[sflag:s20] =	ssyncset.done $0x0  }
0xf1: {  	[sflag:s20] =	ssyncadd.s32 $0xFFFFC000  }
0xf2: {  	_ =	swait.ge [sflag:s20], $0x4000  }
0xf3: {  	[sflag:s20] =	ssyncset.done $0x0  }
0xf4: {  	[sflag:s20] =	ssyncadd.s32 $0xFFFFC000  }
0xf5: {  	_ =	swait.ge [sflag:s20], $0x4000  }
0xf6: {  	[sflag:s20] =	ssyncset.done $0x0  }
0xf7: {  	[sflag:s20] =	ssyncadd.s32 $0xFFFFC000  }
0xf8: {  	[bflag:$0x0] =	sbarrier.arrive $0xFFFF  }
0xf9: {  	[spmem:s26] =	stream.indirect.scatter [tilespmem:s8], [sflag:$0x2], $0x1, s7, s21, $0xb8;
	[tilespmem:$0x18000] =	vst v63  }
0xfa: {  	_ =	swait.ge [sflag:s20], $0x400  }
0xfb: {  	[sflag:s20] =	ssyncset.done $0x0  }
0xfc: {  	[sflag:s20] =	ssyncadd.s32 $0xFFFFFC00  }
0xfd: {  	[bflag:$0x0] =	sbarrier.arrive $0xFFFF  }
0xfe: {  	s1 =	rddreg [dreg:$0x17]  }
0xff: {  	[hbm:s1], [sflag:s25] =	dma.local [spmem:s28], $0x2000  }
0x100: {  	_ =	swait.ge [sflag:s22], $0x2000  }
0x101: {  	[sflag:s22] =	ssyncset.done $0x0  }
0x102: {  	[sflag:s22] =	ssyncadd.s32 $0xFFFFE000  }
0x103: {  	[spmem:s29] =	stream.linear.scatter [tilespmem:s19], [sflag:$0x2], $0x4000, $0x38;
	[tilespmem:$0x18000] =	vst v63  }
0x104: {  	_ = 	snop  }
0x105: {  	[spmem:s31] =	stream.linear.scatter [tilespmem:s19], [sflag:$0x2], $0x4000, $0x38;
	[tilespmem:$0x18000] =	vst v63  }
0x106: {  	_ = 	snop  }
0x107: {  	[spmem:s24] =	stream.linear.scatter [tilespmem:s19], [sflag:$0x2], $0x4000, $0x38;
	[tilespmem:$0x18000] =	vst v63  }
0x108: {  	_ = 	snop  }
0x109: {  	[spmem:s0] =	stream.linear.scatter [tilespmem:s19], [sflag:$0x2], $0x4000, $0x38;
	[tilespmem:$0x18000] =	vst v63  }
0x10a: {  	_ =	swait.ge [sflag:s20], $0x4000  }
0x10b: {  	[sflag:s20] =	ssyncset.done $0x0  }
0x10c: {  	[sflag:s20] =	ssyncadd.s32 $0xFFFFC000  }
0x10d: {  	_ =	swait.ge [sflag:s20], $0x4000  }
0x10e: {  	[sflag:s20] =	ssyncset.done $0x0  }
0x10f: {  	[sflag:s20] =	ssyncadd.s32 $0xFFFFC000  }
0x110: {  	_ =	swait.ge [sflag:s20], $0x4000  }
0x111: {  	[sflag:s20] =	ssyncset.done $0x0  }
0x112: {  	[sflag:s20] =	ssyncadd.s32 $0xFFFFC000  }
0x113: {  	_ =	swait.ge [sflag:s20], $0x4000  }
0x114: {  	[sflag:s20] =	ssyncset.done $0x0  }
0x115: {  	[sflag:s20] =	ssyncadd.s32 $0xFFFFC000  }
0x116: {  	[bflag:$0x0] =	sbarrier.arrive $0xFFFF  }
0x117: {  	[spmem:s26] =	stream.indirect.scatter [tilespmem:s10], [sflag:$0x2], $0x1, s9, s21, $0xb8;
	[tilespmem:$0x18000] =	vst v63  }
0x118: {  	_ =	swait.ge [sflag:s20], $0x400  }
0x119: {  	[sflag:s20] =	ssyncset.done $0x0  }
0x11a: {  	[sflag:s20] =	ssyncadd.s32 $0xFFFFFC00  }
0x11b: {  	[bflag:$0x0] =	sbarrier.arrive $0xFFFF  }
0x11c: {  	s1 =	rddreg [dreg:$0x18]  }
0x11d: {  	[hbm:s1], [sflag:s25] =	dma.local [spmem:s28], $0x2000  }
0x11e: {  	_ =	swait.ge [sflag:s22], $0x2000  }
0x11f: {  	[sflag:s22] =	ssyncset.done $0x0  }
0x120: {  	[sflag:s22] =	ssyncadd.s32 $0xFFFFE000  }
0x121: {  	[spmem:s29] =	stream.linear.scatter [tilespmem:s19], [sflag:$0x2], $0x4000, $0x38;
	[tilespmem:$0x18000] =	vst v63  }
0x122: {  	_ = 	snop  }
0x123: {  	[spmem:s31] =	stream.linear.scatter [tilespmem:s19], [sflag:$0x2], $0x4000, $0x38;
	[tilespmem:$0x18000] =	vst v63  }
0x124: {  	_ = 	snop  }
0x125: {  	[spmem:s24] =	stream.linear.scatter [tilespmem:s19], [sflag:$0x2], $0x4000, $0x38;
	[tilespmem:$0x18000] =	vst v63  }
0x126: {  	_ = 	snop  }
0x127: {  	[spmem:s0] =	stream.linear.scatter [tilespmem:s19], [sflag:$0x2], $0x4000, $0x38;
	[tilespmem:$0x18000] =	vst v63  }
0x128: {  	_ =	swait.ge [sflag:s20], $0x4000  }
0x129: {  	[sflag:s20] =	ssyncset.done $0x0  }
0x12a: {  	[sflag:s20] =	ssyncadd.s32 $0xFFFFC000  }
0x12b: {  	_ =	swait.ge [sflag:s20], $0x4000  }
0x12c: {  	[sflag:s20] =	ssyncset.done $0x0  }
0x12d: {  	[sflag:s20] =	ssyncadd.s32 $0xFFFFC000  }
0x12e: {  	_ =	swait.ge [sflag:s20], $0x4000  }
0x12f: {  	[sflag:s20] =	ssyncset.done $0x0  }
0x130: {  	[sflag:s20] =	ssyncadd.s32 $0xFFFFC000  }
0x131: {  	_ =	swait.ge [sflag:s20], $0x4000  }
0x132: {  	[sflag:s20] =	ssyncset.done $0x0  }
0x133: {  	[sflag:s20] =	ssyncadd.s32 $0xFFFFC000  }
0x134: {  	[bflag:$0x0] =	sbarrier.arrive $0xFFFF  }
0x135: {  	[spmem:s26] =	stream.indirect.scatter [tilespmem:s12], [sflag:$0x2], $0x1, s11, s21, $0xb8;
	[tilespmem:$0x18000] =	vst v63  }
0x136: {  	_ =	swait.ge [sflag:s20], $0x400  }
0x137: {  	[sflag:s20] =	ssyncset.done $0x0  }
0x138: {  	[sflag:s20] =	ssyncadd.s32 $0xFFFFFC00  }
0x139: {  	[bflag:$0x0] =	sbarrier.arrive $0xFFFF  }
0x13a: {  	s1 =	rddreg [dreg:$0x19]  }
0x13b: {  	[hbm:s1], [sflag:s25] =	dma.local [spmem:s28], $0x2000  }
0x13c: {  	_ =	swait.ge [sflag:s22], $0x2000  }
0x13d: {  	[sflag:s22] =	ssyncset.done $0x0  }
0x13e: {  	[sflag:s22] =	ssyncadd.s32 $0xFFFFE000  }
0x13f: {  	[spmem:s29] =	stream.linear.scatter [tilespmem:s19], [sflag:$0x2], $0x4000, $0x38;
	[tilespmem:$0x18000] =	vst v63  }
0x140: {  	_ = 	snop  }
0x141: {  	[spmem:s31] =	stream.linear.scatter [tilespmem:s19], [sflag:$0x2], $0x4000, $0x38;
	[tilespmem:$0x18000] =	vst v63  }
0x142: {  	_ = 	snop  }
0x143: {  	[spmem:s24] =	stream.linear.scatter [tilespmem:s19], [sflag:$0x2], $0x4000, $0x38;
	[tilespmem:$0x18000] =	vst v63  }
0x144: {  	_ = 	snop  }
0x145: {  	[spmem:s0] =	stream.linear.scatter [tilespmem:s19], [sflag:$0x2], $0x4000, $0x38;
	[tilespmem:$0x18000] =	vst v63  }
0x146: {  	_ =	swait.ge [sflag:s20], $0x4000  }
0x147: {  	[sflag:s20] =	ssyncset.done $0x0  }
0x148: {  	[sflag:s20] =	ssyncadd.s32 $0xFFFFC000  }
0x149: {  	_ =	swait.ge [sflag:s20], $0x4000  }
0x14a: {  	[sflag:s20] =	ssyncset.done $0x0  }
0x14b: {  	[sflag:s20] =	ssyncadd.s32 $0xFFFFC000  }
0x14c: {  	_ =	swait.ge [sflag:s20], $0x4000  }
0x14d: {  	[sflag:s20] =	ssyncset.done $0x0  }
0x14e: {  	[sflag:s20] =	ssyncadd.s32 $0xFFFFC000  }
0x14f: {  	_ =	swait.ge [sflag:s20], $0x4000  }
0x150: {  	[sflag:s20] =	ssyncset.done $0x0  }
0x151: {  	[sflag:s20] =	ssyncadd.s32 $0xFFFFC000  }
0x152: {  	[bflag:$0x0] =	sbarrier.arrive $0xFFFF  }
0x153: {  	[spmem:s26] =	stream.indirect.scatter [tilespmem:s14], [sflag:$0x2], $0x1, s13, s21, $0xb8;
	[tilespmem:$0x18000] =	vst v63  }
0x154: {  	_ =	swait.ge [sflag:s20], $0x400  }
0x155: {  	[sflag:s20] =	ssyncset.done $0x0  }
0x156: {  	[sflag:s20] =	ssyncadd.s32 $0xFFFFFC00  }
0x157: {  	[bflag:$0x0] =	sbarrier.arrive $0xFFFF  }
0x158: {  	s1 =	rddreg [dreg:$0x1a]  }
0x159: {  	[hbm:s1], [sflag:s25] =	dma.local [spmem:s28], $0x2000  }
0x15a: {  	_ =	swait.ge [sflag:s22], $0x2000  }
0x15b: {  	[sflag:s22] =	ssyncset.done $0x0  }
0x15c: {  	[sflag:s22] =	ssyncadd.s32 $0xFFFFE000  }
0x15d: {  	[spmem:s29] =	stream.linear.scatter [tilespmem:s19], [sflag:$0x2], $0x4000, $0x38;
	[tilespmem:$0x18000] =	vst v63  }
0x15e: {  	_ = 	snop  }
0x15f: {  	[spmem:s31] =	stream.linear.scatter [tilespmem:s19], [sflag:$0x2], $0x4000, $0x38;
	[tilespmem:$0x18000] =	vst v63  }
0x160: {  	_ = 	snop  }
0x161: {  	[spmem:s24] =	stream.linear.scatter [tilespmem:s19], [sflag:$0x2], $0x4000, $0x38;
	[tilespmem:$0x18000] =	vst v63  }
0x162: {  	_ = 	snop  }
0x163: {  	[spmem:s0] =	stream.linear.scatter [tilespmem:s19], [sflag:$0x2], $0x4000, $0x38;
	[tilespmem:$0x18000] =	vst v63  }
0x164: {  	_ =	swait.ge [sflag:s20], $0x4000  }
0x165: {  	[sflag:s20] =	ssyncset.done $0x0  }
0x166: {  	[sflag:s20] =	ssyncadd.s32 $0xFFFFC000  }
0x167: {  	_ =	swait.ge [sflag:s20], $0x4000  }
0x168: {  	[sflag:s20] =	ssyncset.done $0x0  }
0x169: {  	[sflag:s20] =	ssyncadd.s32 $0xFFFFC000  }
0x16a: {  	_ =	swait.ge [sflag:s20], $0x4000  }
0x16b: {  	[sflag:s20] =	ssyncset.done $0x0  }
0x16c: {  	[sflag:s20] =	ssyncadd.s32 $0xFFFFC000  }
0x16d: {  	_ =	swait.ge [sflag:s20], $0x4000  }
0x16e: {  	[sflag:s20] =	ssyncset.done $0x0  }
0x16f: {  	[sflag:s20] =	ssyncadd.s32 $0xFFFFC000  }
0x170: {  	[bflag:$0x0] =	sbarrier.arrive $0xFFFF  }
0x171: {  	[spmem:s26] =	stream.indirect.scatter [tilespmem:s16], [sflag:$0x2], $0x1, s15, s21, $0xb8;
	[tilespmem:$0x18000] =	vst v63  }
0x172: {  	_ =	swait.ge [sflag:s20], $0x400  }
0x173: {  	[sflag:s20] =	ssyncset.done $0x0  }
0x174: {  	s23 =	sadd.s32 $0x1, s23;
	[sflag:s20] =	ssyncadd.s32 $0xFFFFFC00  }
0x175: {  	p0 =	sne.s32 s23, s30;
	[bflag:$0x0] =	sbarrier.arrive $0xFFFF  }
.Ltmp1:
0x176: {  	s1 =	rddreg [dreg:$0x1b];
	(pc) =	sbr.rel @p0 .LBB2_1-.Ltmp1, $4  }
0x177: {  	[hbm:s1], [sflag:s25] =	dma.local [spmem:s28], $0x2000  }
0x178: {  	_ =	swait.ge [sflag:s22], $0x2000  }
0x179: {  	[sflag:s22] =	ssyncset.done $0x0  }
0x17a: {  	[sflag:s22] =	ssyncadd.s32 $0xFFFFE000  }
0x17b: {  	_ =	sfence.sel $0x180000  }
0x17c: {  	[bflag:$0x0] =	sbarrier.arrive $0xFFFF  }
0x17d: {  	_ =	strace $0x90000047  }
0x17e: {  	s0 =	stileid.u32;
	[bflag:$0x2] =	sbarrier.arrive $0xFFFF  }
0x17f: {  	p0 =	sne.s32 s0, $0x0;
	s0 =	rddreg [dreg:$0x3]  }
0x180: {  	s0 =	sadd.s32 @!p0 $0x100000, s0  }
0x181: {  	[sflag:s0] =	ssyncadd.tile.s32 @!p0 $0x1;
	_ =	shalt  }
.Lfunc_end2:
_tile_overlayer_lowered:
.L_overlay_start_2:
0x182: {  	(tag) =	ssettag $0x2  }
0x183: {  	s0 =	rddreg [dreg:$0x0];
	s2 =	stileid.u32  }
0x184: {  	s1 =	rddreg [dreg:$0x1];
	p0 =	sne.s32 s2, $0x0  }
0x185: {  	s3 =	rddreg [dreg:$0x2];
	[bflag:$0x3] =	sbarrier.arrive $0xFFFF;
	s2 =	simm.s32 @!p0 $0x1C04  }
0x186: {  	[timem:s3], [sflag:s2] =	dma.local @!p0 [hbm:s0], s1  }
0x187: {  	s0 =	simm.s32 @!p0 $0x4  }
0x188: {  	_ =	swait.ge @!p0 [sflag:s0], s1  }
0x189: {  	s1 =	ssub.s32 @!p0 $0x0, s1;
	[sflag:s0] =	ssyncset.done @!p0 $0x0  }
0x18a: {  	[sflag:s0] =	ssyncadd.s32 @!p0 s1  }
0x18b: {  	[bflag:$0x3] =	sbarrier.arrive $0xFFFF  }
0x18c: {  	_ =	shalt  }

</sc_bundles>
